<compile_context>
chip_gen: v7x
topology: tpu7x:2x2x1
jax: 0.10.2.dev20260603
libtpu: 0.0.44.dev20260713+nightly
codegen_flags: <defaults>
</compile_context>

<pallas_src>
import dataclasses
import functools

import jax
import jax.numpy as jnp
from jax import lax
from jax.experimental import pallas as pl
from jax.experimental.pallas import tpu as pltpu
from jax.experimental.pallas import tpu_sc as plsc

NC = 2
NSUB = 16
NW = NC * NSUB
CH = 128
LANES = 16
KB = 16
DPAD = 1024


def _sc_compiler_params():
    cp = pltpu.CompilerParams()
    fields = pltpu.CompilerParams.__dataclass_fields__
    if "needs_layout_passes" in fields:
        cp = dataclasses.replace(cp, needs_layout_passes=False)
    if "use_tc_tiling_on_sc" in fields:
        cp = dataclasses.replace(cp, use_tc_tiling_on_sc=False)
    return cp


def _mm0_body(xs_ref, xt_ref, w_ref, hs_ref, ht_ref, hpk_ref):
    w = w_ref[...]
    h = lax.dot_general(
        xs_ref[...], w, (((1,), (0,)), ((), ())),
        precision=lax.Precision.HIGHEST, preferred_element_type=jnp.float32)
    hs_ref[...] = h
    hb = lax.bitcast_convert_type(h.astype(jnp.bfloat16), jnp.uint16)
    d2 = h.shape[1] // 2
    lo = hb[:, :d2].astype(jnp.uint32)
    hi = hb[:, d2:].astype(jnp.uint32)
    hpk_ref[...] = lax.bitcast_convert_type(lo | (hi << 16), jnp.int32)
    ht_ref[...] = lax.dot_general(
        xt_ref[...], w, (((1,), (0,)), ((), ())),
        precision=lax.Precision.HIGHEST, preferred_element_type=jnp.float32)


def _fin_body(hs_ref, ht_ref, acc_ref, deg_ref, w1_ref, ys_ref, yt_ref):
    w1 = w1_ref[...]
    ys_ref[...] = lax.dot_general(
        jnp.maximum(hs_ref[...], 0.0), w1, (((1,), (0,)), ((), ())),
        precision=lax.Precision.HIGHEST, preferred_element_type=jnp.float32)
    indeg = deg_ref[0, :, 0:1] + deg_ref[1, :, 0:1]
    dinv = lax.rsqrt(indeg + 1.0)
    agg = acc_ref[0] + acc_ref[1]
    z = dinv * dinv * ht_ref[...] + dinv * agg
    yt_ref[...] = lax.dot_general(
        jnp.maximum(z, 0.0), w1, (((1,), (0,)), ((), ())),
        precision=lax.Precision.HIGHEST, preferred_element_type=jnp.float32)


def _make_sc_degree(n_acc, cpt):
    rows_per_tile = n_acc // NSUB
    mesh = plsc.VectorSubcoreMesh(core_axis_name="c", subcore_axis_name="s")

    @functools.partial(
        pl.kernel,
        out_type=jax.ShapeDtypeStruct((NC, n_acc, LANES), jnp.float32),
        mesh=mesh,
        scratch_types=[
            pltpu.VMEM_SHARED((n_acc + DPAD, LANES), jnp.float32),
            pltpu.VMEM((cpt, CH), jnp.int32),
            pltpu.VMEM((CH, LANES), jnp.float32),
        ],
    )
    def sc_deg(cold_hbm, deg_out, deg_sh, col_v, ones_v):
        cid = lax.axis_index("c")
        sid = lax.axis_index("s")
        wid = cid * NSUB + sid

        @pl.loop(0, CH)
        def _(i):
            ones_v[i, pl.ds(0, LANES)] = jnp.zeros((LANES,), jnp.float32)

        base = sid * rows_per_tile
        n_full = rows_per_tile // CH
        rem = rows_per_tile - n_full * CH

        @pl.loop(0, n_full)
        def _(k):
            pltpu.sync_copy(ones_v, deg_sh.at[pl.ds(base + k * CH, CH)])

        if rem:
            pltpu.sync_copy(ones_v.at[pl.ds(0, rem)],
                            deg_sh.at[pl.ds(base + n_full * CH, rem)])

        @pl.loop(0, CH)
        def _(i):
            ones_v[i, pl.ds(0, LANES)] = jnp.ones((LANES,), jnp.float32)

        pltpu.sync_copy(cold_hbm.at[wid], col_v)
        plsc.subcore_barrier()

        @pl.loop(0, cpt)
        def _(j):
            pltpu.sync_copy(ones_v, deg_sh.at[col_v.at[j]], add=True)

        plsc.subcore_barrier()
        pltpu.sync_copy(deg_sh.at[pl.ds(base, rows_per_tile)],
                        deg_out.at[cid].at[pl.ds(base, rows_per_tile)])

    return sc_deg


def _make_sc_aggregate(n_acc, cpt, d):
    rows_per_tile = n_acc // NSUB
    nblk = cpt // KB
    dp = d // 2
    mesh = plsc.VectorSubcoreMesh(core_axis_name="c", subcore_axis_name="s")

    @functools.partial(
        pl.kernel,
        out_type=jax.ShapeDtypeStruct((NC, n_acc, d), jnp.float32),
        mesh=mesh,
        scratch_types=[
            pltpu.VMEM_SHARED((n_acc, d), jnp.float32),
            pltpu.VMEM((2, KB, CH), jnp.int32),
            pltpu.VMEM((2, KB, CH), jnp.int32),
            pltpu.VMEM((CH, dp), jnp.int32),
            pltpu.VMEM((CH, dp), jnp.int32),
            pltpu.VMEM((CH, dp), jnp.int32),
            pltpu.VMEM((CH, dp), jnp.int32),
            pltpu.VMEM((CH, d), jnp.float32),
            pltpu.VMEM((CH, d), jnp.float32),
            pltpu.SemaphoreType.DMA,
            pltpu.SemaphoreType.DMA,
            pltpu.SemaphoreType.DMA,
            pltpu.SemaphoreType.DMA,
            pltpu.SemaphoreType.DMA,
            pltpu.SemaphoreType.DMA,
            pltpu.SemaphoreType.DMA,
        ],
        compiler_params=_sc_compiler_params(),
    )
    def sc_agg(hs_hbm, rowi_hbm, coli_hbm, acc_out,
               acc_sh, row_v, col_v, gb0, gb1, gb2, gb3, sb0, sb1,
               gs0, gs1, gs2, gs3, ss0, ss1, isem):
        cid = lax.axis_index("c")
        sid = lax.axis_index("s")
        wid = cid * NSUB + sid
        gbufs = (gb0, gb1, gb2, gb3)
        sbufs = (sb0, sb1)
        gsems = (gs0, gs1, gs2, gs3)
        ssems = (ss0, ss1)

        @pl.loop(0, CH)
        def _(i):
            @pl.loop(0, d, step=LANES)
            def _(j):
                sb0[i, pl.ds(j, LANES)] = jnp.zeros((LANES,), jnp.float32)

        base = sid * rows_per_tile
        n_full = rows_per_tile // CH
        rem = rows_per_tile - n_full * CH

        @pl.loop(0, n_full)
        def _(k):
            pltpu.sync_copy(sb0, acc_sh.at[pl.ds(base + k * CH, CH)])

        if rem:
            pltpu.sync_copy(sb0.at[pl.ds(0, rem)],
                            acc_sh.at[pl.ds(base + n_full * CH, rem)])

        plsc.subcore_barrier()

        def unpack_chunk(gb, sb):
            @pl.loop(0, CH)
            def _(i):
                for j in range(0, dp, LANES):
                    w = gb[i, pl.ds(j, LANES)]
                    lo = plsc.bitcast(w << 16, jnp.float32)
                    hi = plsc.bitcast(w & jnp.int32(-65536), jnp.float32)
                    sb[i, pl.ds(j, LANES)] = lo
                    sb[i, pl.ds(dp + j, LANES)] = hi

        pltpu.sync_copy(rowi_hbm.at[wid].at[pl.ds(0, KB)], row_v.at[0])
        pltpu.sync_copy(coli_hbm.at[wid].at[pl.ds(0, KB)], col_v.at[0])
        if nblk > 1:
            pltpu.async_copy(rowi_hbm.at[wid].at[pl.ds(KB, KB)],
                             row_v.at[1], isem)
            pltpu.async_copy(coli_hbm.at[wid].at[pl.ds(KB, KB)],
                             col_v.at[1], isem)

        @pl.loop(0, nblk)
        def _(b):
            sl = b % 2
            rv = row_v.at[sl]
            cv = col_v.at[sl]

            @pl.when(b > 0)
            def _():
                pltpu.make_async_copy(rowi_hbm.at[wid].at[pl.ds(b * KB, KB)],
                                      row_v.at[sl], isem).wait()
                pltpu.make_async_copy(coli_hbm.at[wid].at[pl.ds(b * KB, KB)],
                                      col_v.at[sl], isem).wait()

            @pl.when(b + 1 < nblk)
            def _():
                nsl = (b + 1) % 2
                pltpu.async_copy(
                    rowi_hbm.at[wid].at[pl.ds((b + 1) * KB, KB)],
                    row_v.at[nsl], isem)
                pltpu.async_copy(
                    coli_hbm.at[wid].at[pl.ds((b + 1) * KB, KB)],
                    col_v.at[nsl], isem)

            pltpu.async_copy(hs_hbm.at[rv.at[0]], gb0, gs0)
            pltpu.async_copy(hs_hbm.at[rv.at[1]], gb1, gs1)

            @pl.loop(0, KB, step=4)
            def _(j):
                for t in range(4):
                    c = j + t
                    gb, gt = gbufs[t], gsems[t]
                    g2, gt2 = gbufs[(t + 2) % 4], gsems[(t + 2) % 4]
                    sb, st = sbufs[t % 2], ssems[t % 2]
                    pltpu.make_async_copy(hs_hbm.at[rv.at[c]], gb,
                                          gt).wait()

                    @pl.when(c + 2 < KB)
                    def _():
                        pltpu.async_copy(hs_hbm.at[rv.at[c + 2]], g2, gt2)

                    @pl.when(c >= 2)
                    def _():
                        pltpu.make_async_copy(
                            sb, acc_sh.at[cv.at[c - 2]], st).wait()

                    unpack_chunk(gb, sb)
                    pltpu.async_copy(sb, acc_sh.at[cv.at[c]], st, add=True)

            pltpu.make_async_copy(sb0, acc_sh.at[cv.at[KB - 2]],
                                  ss0).wait()
            pltpu.make_async_copy(sb1, acc_sh.at[cv.at[KB - 1]],
                                  ss1).wait()

        plsc.subcore_barrier()

        pltpu.sync_copy(acc_sh.at[pl.ds(base, rows_per_tile)],
                        acc_out.at[cid].at[pl.ds(base, rows_per_tile)])

    return sc_agg


def _impl(edge_index, x_s, x_t, W0, W1):
    n_s, d_in = x_s.shape
    n_t = x_t.shape[0]
    d_hid = W0.shape[1]
    d_out = W1.shape[1]
    e = edge_index.shape[1]

    row = edge_index[0].astype(jnp.int32)
    col = edge_index[1].astype(jnp.int32)

    cpt = -(-e // (NW * CH))
    cpt = -(-cpt // KB) * KB
    e_pad = NW * cpt * CH
    n_acc = -(-(n_t + 1) // (NSUB * 8)) * (NSUB * 8)
    n_sp = -(-(n_s + 1) // 8) * 8

    npad = e_pad - e
    pad_iota = lax.iota(jnp.int32, npad)
    row_p = jnp.concatenate([row, jnp.full((npad,), n_s, jnp.int32)])
    col_p = jnp.concatenate([col, pad_iota % n_t])
    col_d = jnp.concatenate([col, n_acc + pad_iota % DPAD])
    row_p = row_p.reshape(cpt, NW, CH).transpose(1, 0, 2)
    col_p = col_p.reshape(cpt, NW, CH).transpose(1, 0, 2)
    col_d = col_d.reshape(cpt, NW, CH).transpose(1, 0, 2)

    sc_deg = _make_sc_degree(n_acc, cpt)
    deg = sc_deg(col_d)

    xs_p = jnp.pad(x_s, ((0, n_sp - n_s), (0, 0)))
    hs_p, ht, hs_pk = pl.pallas_call(
        _mm0_body,
        out_shape=(
            jax.ShapeDtypeStruct((n_sp, d_hid), jnp.float32),
            jax.ShapeDtypeStruct((n_t, d_hid), jnp.float32),
            jax.ShapeDtypeStruct((n_sp, d_hid // 2), jnp.int32),
        ),
    )(xs_p, x_t, W0)

    sc_agg = _make_sc_aggregate(n_acc, cpt, d_hid)
    acc = sc_agg(hs_pk, row_p, col_p)

    ys, yt = pl.pallas_call(
        _fin_body,
        out_shape=(
            jax.ShapeDtypeStruct((n_s, d_out), jnp.float32),
            jax.ShapeDtypeStruct((n_t, d_out), jnp.float32),
        ),
        grid=(1,),
        in_specs=[
            pl.BlockSpec((n_s, d_hid), lambda i: (0, 0)),
            pl.BlockSpec((n_t, d_hid), lambda i: (0, 0)),
            pl.BlockSpec((NC, n_t, d_hid), lambda i: (0, 0, 0)),
            pl.BlockSpec((NC, n_t, LANES), lambda i: (0, 0, 0)),
            pl.BlockSpec((d_hid, d_out), lambda i: (0, 0)),
        ],
        out_specs=(
            pl.BlockSpec((n_s, d_out), lambda i: (0, 0)),
            pl.BlockSpec((n_t, d_out), lambda i: (0, 0)),
        ),
    )(hs_p, ht, acc, deg, W1)

    return ys, yt


_impl_jit = jax.jit(_impl)


def kernel(edge_index, x_s, x_t, W0, W1):
    return _impl_jit(edge_index, x_s, x_t, W0, W1)

# --- scband reference (transcript-rebuilt; emitter-appended) ---
"""Pipeline reference for scband-gcn-69526930588080 (READ-ONLY COPY).

The authoritative reference and input builder live on the scoring server;
editing this copy changes nothing except your own understanding.
"""

import jax, jax.numpy as jnp
import numpy as np

N_S, N_T, E, D_IN, D_HID, D_OUT = 5000, 5000, 320000, 128, 128, 128


def _gcn_conv(x, row, col, W, N):
    # PyG GCNConv with add_self_loops=True, symmetric normalization, bias=False
    loop = jnp.arange(N, dtype=row.dtype)
    r = jnp.concatenate([row, loop])
    c = jnp.concatenate([col, loop])
    ones = jnp.ones((r.shape[0],), dtype=x.dtype)
    # out-of-range scatter indices are dropped by JAX (torch bug: edge_index mutated in-place each layer)
    deg = jnp.zeros((N,), dtype=x.dtype).at[c].add(ones)
    dinv = jnp.where(deg > 0, deg ** -0.5, jnp.zeros_like(deg))
    norm = dinv[r] * dinv[c]
    h = x @ W
    msg = h[r] * norm[:, None]
    out = jnp.zeros((N, W.shape[1]), dtype=x.dtype).at[c].add(msg)
    return out


def setup_inputs(seed: int = 0):
    key = jax.random.key(seed)
    k1, k2, k3, k4, k5 = jax.random.split(key, 5)
    edge_index = jax.random.randint(k1, (2, E), 0, N_T)
    x_s = jax.random.normal(k2, (N_S, D_IN), dtype=jnp.float32)
    x_t = jax.random.normal(k3, (N_T, D_IN), dtype=jnp.float32)
    W0 = jax.random.normal(k4, (D_IN, D_HID), dtype=jnp.float32) / np.sqrt(D_IN)
    W1 = jax.random.normal(k5, (D_HID, D_OUT), dtype=jnp.float32) / np.sqrt(D_HID)
    return {"edge_index": edge_index, "x_s": x_s, "x_t": x_t, "W0": W0, "W1": W1}


def reference(edge_index, x_s, x_t, W0, W1):
    N_s = x_s.shape[0]
    N_t = x_t.shape[0]
    N = N_s + N_t
    ei = edge_index
    # layer 0: GraphConvolution(input_dim, hiddens[0], dropout=0, activation=ReLU)
    x = jnp.concatenate([x_s, x_t], axis=0)
    ei = ei.at[1].add(N_s)  # faithful to in-place edge_index[1] += N_s
    x = _gcn_conv(x, ei[0], ei[1], W0, N)
    x = jax.nn.relu(x)
    x_s, x_t = x[:N_s], x[N_s:]
    # layer 1: GraphConvolution(hiddens[-1], output_dim, activation=identity)
    x = jnp.concatenate([x_s, x_t], axis=0)
    ei = ei.at[1].add(N_s)  # mutation accumulates (original torch bug); OOB scatters dropped
    x = _gcn_conv(x, ei[0], ei[1], W1, N)
    x_s, x_t = x[:N_s], x[N_s:]
    return (x_s, x_t)

if __name__ == "__main__":
    import jax
    _d = setup_inputs()
    print(jax.jit(kernel)(*tuple(_d.values())))

</pallas_src>

<mosaic_0001>
#map = affine_map<(d0, d1) -> (0, 0, 0)>
module attributes {stable_mosaic.version = 14 : i64} {
  func.func @sc_deg(%arg0: i32, %arg1: i32, %arg2: memref<32x80x128xi32, #tpu.memory_space<hbm>>, %arg3: memref<2x5120x16xf32, #tpu.memory_space<hbm>>, %arg4: memref<6144x16xf32, #tpu.memory_space<vmem_shared>>, %arg5: memref<80x128xi32, #tpu.memory_space<vmem>>, %arg6: memref<128x16xf32, #tpu.memory_space<vmem>>) attributes {dimension_semantics = [#tpu.dimension_semantics<core_parallel>, #tpu.dimension_semantics<subcore_parallel>], iteration_bounds = array<i64: 2, 16>, scalar_prefetch = 0 : i64, scratch_operands = 3 : i64, tpu.core_type = #tpu.core_type<sc_vector_subcore>, window_params = [{transform_indices = #map}, {transform_indices = #map}]} {
    %mul3A = arith.constant 16 : i32
    %mul3A_0 = arith.muli %arg0, %mul3A : i32
    %add3A = arith.addi %mul3A_0, %arg1 : i32
    %scan3A = arith.constant 0 : i32
    %scan3A_1 = arith.constant 128 : i32
    %scan3A_2 = arith.addi %scan3A, %scan3A_1 : i32
    %scan3A_3 = arith.constant 1 : i32
    scf.for %scan3A_25 = %scan3A to %scan3A_2 step %scan3A_3  : i32 {
      %mul3A_26 = arith.constant 1 : i32
      %mul3A_27 = arith.muli %scan3A_25, %mul3A_26 : i32
      %add3A_28 = arith.constant 0 : i32
      %add3A_29 = arith.addi %add3A_28, %mul3A_27 : i32
      %broadcast_in_dim3A = arith.constant 0.000000e+00 : f32
      %broadcast_in_dim3A_30 = vector.broadcast %broadcast_in_dim3A : f32 to vector<16xf32>
      %swap3A = arith.index_cast %add3A_29 : i32 to index
      %swap3A_31 = arith.constant 0 : index
      %swap3A_32 = tpu.vector_load %arg6[%swap3A, %swap3A_31] {strides = array<i32>} : memref<128x16xf32, #tpu.memory_space<vmem>>, vector<1x16xf32>,
      %swap3A_33 = vector.shape_cast %swap3A_32 : vector<1x16xf32> to vector<16xf32>
      %swap3A_34 = vector.shape_cast %broadcast_in_dim3A_30 : vector<16xf32> to vector<1x16xf32>
      tpu.vector_store %arg6[%swap3A, %swap3A_31], %swap3A_34 {strides = array<i32>} : memref<128x16xf32, #tpu.memory_space<vmem>>, vector<1x16xf32>,
    }
    %scan3A_4 = arith.constant 128 : i32
    %mul3A_5 = arith.constant 320 : i32
    %mul3A_6 = arith.muli %arg1, %mul3A_5 : i32
    %scan3A_7 = arith.constant 0 : i32
    %scan3A_8 = arith.constant 2 : i32
    %scan3A_9 = arith.addi %scan3A_7, %scan3A_8 : i32
    %scan3A_10 = arith.constant 1 : i32
    scf.for %scan3A_25 = %scan3A_7 to %scan3A_9 step %scan3A_10  : i32 {
      %mul3A_26 = arith.constant 1 : i32
      %mul3A_27 = arith.muli %scan3A_25, %mul3A_26 : i32
      %add3A_28 = arith.constant 0 : i32
      %add3A_29 = arith.addi %add3A_28, %mul3A_27 : i32
      %mul3A_30 = arith.constant 128 : i32
      %mul3A_31 = arith.muli %add3A_29, %mul3A_30 : i32
      %add3A_32 = arith.addi %mul3A_6, %mul3A_31 : i32
      "tpu.region"() ({
        %run_scoped3A = tpu.sem_alloc : memref<!tpu.dma_semaphore, #tpu.memory_space<semaphore_mem>>
        %dma_start3A = arith.constant 0 : i32
        %dma_start3A_33 = tpu.memref_slice %arg4[%add3A_32, %dma_start3A] : memref<6144x16xf32, #tpu.memory_space<vmem_shared>> -> memref<128x16xf32, #tpu.memory_space<vmem_shared>>
        %dma_start3A_34 = arith.constant 0 : i32
        %dma_start3A_35 = tpu.memref_slice %arg4[%add3A_32, %dma_start3A_34] : memref<6144x16xf32, #tpu.memory_space<vmem_shared>> -> memref<128x16xf32, #tpu.memory_space<vmem_shared>>
        tpu.enqueue_dma source(%arg6 : memref<128x16xf32, #tpu.memory_space<vmem>>) target(%dma_start3A_35 : memref<128x16xf32, #tpu.memory_space<vmem_shared>>) target_semaphore(%run_scoped3A : memref<!tpu.dma_semaphore, #tpu.memory_space<semaphore_mem>>)
        %dma_wait3A = arith.constant 0 : i32
        %dma_wait3A_36 = tpu.memref_slice %arg4[%add3A_32, %dma_wait3A] : memref<6144x16xf32, #tpu.memory_space<vmem_shared>> -> memref<128x16xf32, #tpu.memory_space<vmem_shared>>
        %dma_wait3A_37 = arith.constant 0 : i32
        %dma_wait3A_38 = tpu.memref_slice %arg4[%add3A_32, %dma_wait3A_37] : memref<6144x16xf32, #tpu.memory_space<vmem_shared>> -> memref<128x16xf32, #tpu.memory_space<vmem_shared>>
        tpu.wait_dma2 semaphore(%run_scoped3A : memref<!tpu.dma_semaphore, #tpu.memory_space<semaphore_mem>>) src(%arg6 : memref<128x16xf32, #tpu.memory_space<vmem>>) dst(%dma_wait3A_38 : memref<128x16xf32, #tpu.memory_space<vmem_shared>>)
        tpu.yield
      }) : () -> ()
    }
    %scan3A_11 = arith.constant 2 : i32
    %add3A_12 = arith.constant 256 : i32
    %add3A_13 = arith.addi %mul3A_6, %add3A_12 : i32
    "tpu.region"() ({
      %run_scoped3A = tpu.sem_alloc : memref<!tpu.dma_semaphore, #tpu.memory_space<semaphore_mem>>
      %dma_start3A = arith.constant 0 : i32
      %dma_start3A_25 = arith.constant 0 : i32
      %dma_start3A_26 = tpu.memref_slice %arg6[%dma_start3A, %dma_start3A_25] : memref<128x16xf32, #tpu.memory_space<vmem>> -> memref<64x16xf32, #tpu.memory_space<vmem>>
      %dma_start3A_27 = arith.constant 0 : i32
      %dma_start3A_28 = tpu.memref_slice %arg4[%add3A_13, %dma_start3A_27] : memref<6144x16xf32, #tpu.memory_space<vmem_shared>> -> memref<64x16xf32, #tpu.memory_space<vmem_shared>>
      %dma_start3A_29 = arith.constant 0 : i32
      %dma_start3A_30 = tpu.memref_slice %arg4[%add3A_13, %dma_start3A_29] : memref<6144x16xf32, #tpu.memory_space<vmem_shared>> -> memref<64x16xf32, #tpu.memory_space<vmem_shared>>
      %dma_start3A_31 = arith.constant 0 : i32
      %dma_start3A_32 = arith.constant 0 : i32
      %dma_start3A_33 = tpu.memref_slice %arg6[%dma_start3A_31, %dma_start3A_32] : memref<128x16xf32, #tpu.memory_space<vmem>> -> memref<64x16xf32, #tpu.memory_space<vmem>>
      tpu.enqueue_dma source(%dma_start3A_33 : memref<64x16xf32, #tpu.memory_space<vmem>>) target(%dma_start3A_30 : memref<64x16xf32, #tpu.memory_space<vmem_shared>>) target_semaphore(%run_scoped3A : memref<!tpu.dma_semaphore, #tpu.memory_space<semaphore_mem>>)
      %dma_wait3A = arith.constant 0 : i32
      %dma_wait3A_34 = arith.constant 0 : i32
      %dma_wait3A_35 = tpu.memref_slice %arg6[%dma_wait3A, %dma_wait3A_34] : memref<128x16xf32, #tpu.memory_space<vmem>> -> memref<64x16xf32, #tpu.memory_space<vmem>>
      %dma_wait3A_36 = arith.constant 0 : i32
      %dma_wait3A_37 = tpu.memref_slice %arg4[%add3A_13, %dma_wait3A_36] : memref<6144x16xf32, #tpu.memory_space<vmem_shared>> -> memref<64x16xf32, #tpu.memory_space<vmem_shared>>
      %dma_wait3A_38 = arith.constant 0 : i32
      %dma_wait3A_39 = tpu.memref_slice %arg4[%add3A_13, %dma_wait3A_38] : memref<6144x16xf32, #tpu.memory_space<vmem_shared>> -> memref<64x16xf32, #tpu.memory_space<vmem_shared>>
      %dma_wait3A_40 = arith.constant 0 : i32
      %dma_wait3A_41 = arith.constant 0 : i32
      %dma_wait3A_42 = tpu.memref_slice %arg6[%dma_wait3A_40, %dma_wait3A_41] : memref<128x16xf32, #tpu.memory_space<vmem>> -> memref<64x16xf32, #tpu.memory_space<vmem>>
      tpu.wait_dma2 semaphore(%run_scoped3A : memref<!tpu.dma_semaphore, #tpu.memory_space<semaphore_mem>>) src(%dma_wait3A_42 : memref<64x16xf32, #tpu.memory_space<vmem>>) dst(%dma_wait3A_39 : memref<64x16xf32, #tpu.memory_space<vmem_shared>>)
      tpu.yield
    }) : () -> ()
    %scan3A_14 = arith.constant 0 : i32
    %scan3A_15 = arith.constant 128 : i32
    %scan3A_16 = arith.addi %scan3A_14, %scan3A_15 : i32
    %scan3A_17 = arith.constant 1 : i32
    scf.for %scan3A_25 = %scan3A_14 to %scan3A_16 step %scan3A_17  : i32 {
      %mul3A_26 = arith.constant 1 : i32
      %mul3A_27 = arith.muli %scan3A_25, %mul3A_26 : i32
      %add3A_28 = arith.constant 0 : i32
      %add3A_29 = arith.addi %add3A_28, %mul3A_27 : i32
      %broadcast_in_dim3A = arith.constant 1.000000e+00 : f32
      %broadcast_in_dim3A_30 = vector.broadcast %broadcast_in_dim3A : f32 to vector<16xf32>
      %swap3A = arith.index_cast %add3A_29 : i32 to index
      %swap3A_31 = arith.constant 0 : index
      %swap3A_32 = tpu.vector_load %arg6[%swap3A, %swap3A_31] {strides = array<i32>} : memref<128x16xf32, #tpu.memory_space<vmem>>, vector<1x16xf32>,
      %swap3A_33 = vector.shape_cast %swap3A_32 : vector<1x16xf32> to vector<16xf32>
      %swap3A_34 = vector.shape_cast %broadcast_in_dim3A_30 : vector<16xf32> to vector<1x16xf32>
      tpu.vector_store %arg6[%swap3A, %swap3A_31], %swap3A_34 {strides = array<i32>} : memref<128x16xf32, #tpu.memory_space<vmem>>, vector<1x16xf32>,
    }
    %scan3A_18 = arith.constant 128 : i32
    "tpu.region"() ({
      %run_scoped3A = tpu.sem_alloc : memref<!tpu.dma_semaphore, #tpu.memory_space<semaphore_mem>>
      %dma_start3A = arith.constant 0 : i32
      %dma_start3A_25 = arith.constant 0 : i32
      %dma_start3A_26 = tpu.memref_slice %arg2[%add3A, %dma_start3A, %dma_start3A_25] : memref<32x80x128xi32, #tpu.memory_space<hbm>> -> memref<1x80x128xi32, #tpu.memory_space<hbm>>
      %dma_start3A_27 = tpu.memref_squeeze %dma_start3A_26 : memref<1x80x128xi32, #tpu.memory_space<hbm>> -> memref<80x128xi32, #tpu.memory_space<hbm>>
      %dma_start3A_28 = arith.constant 0 : i32
      %dma_start3A_29 = arith.constant 0 : i32
      %dma_start3A_30 = tpu.memref_slice %arg2[%add3A, %dma_start3A_28, %dma_start3A_29] : memref<32x80x128xi32, #tpu.memory_space<hbm>> -> memref<1x80x128xi32, #tpu.memory_space<hbm>>
      %dma_start3A_31 = tpu.memref_squeeze %dma_start3A_30 : memref<1x80x128xi32, #tpu.memory_space<hbm>> -> memref<80x128xi32, #tpu.memory_space<hbm>>
      tpu.enqueue_dma source(%dma_start3A_31 : memref<80x128xi32, #tpu.memory_space<hbm>>) target(%arg5 : memref<80x128xi32, #tpu.memory_space<vmem>>) target_semaphore(%run_scoped3A : memref<!tpu.dma_semaphore, #tpu.memory_space<semaphore_mem>>)
      %dma_wait3A = arith.constant 0 : i32
      %dma_wait3A_32 = arith.constant 0 : i32
      %dma_wait3A_33 = tpu.memref_slice %arg2[%add3A, %dma_wait3A, %dma_wait3A_32] : memref<32x80x128xi32, #tpu.memory_space<hbm>> -> memref<1x80x128xi32, #tpu.memory_space<hbm>>
      %dma_wait3A_34 = tpu.memref_squeeze %dma_wait3A_33 : memref<1x80x128xi32, #tpu.memory_space<hbm>> -> memref<80x128xi32, #tpu.memory_space<hbm>>
      %dma_wait3A_35 = arith.constant 0 : i32
      %dma_wait3A_36 = arith.constant 0 : i32
      %dma_wait3A_37 = tpu.memref_slice %arg2[%add3A, %dma_wait3A_35, %dma_wait3A_36] : memref<32x80x128xi32, #tpu.memory_space<hbm>> -> memref<1x80x128xi32, #tpu.memory_space<hbm>>
      %dma_wait3A_38 = tpu.memref_squeeze %dma_wait3A_37 : memref<1x80x128xi32, #tpu.memory_space<hbm>> -> memref<80x128xi32, #tpu.memory_space<hbm>>
      tpu.wait_dma2 semaphore(%run_scoped3A : memref<!tpu.dma_semaphore, #tpu.memory_space<semaphore_mem>>) src(%dma_wait3A_38 : memref<80x128xi32, #tpu.memory_space<hbm>>) dst(%arg5 : memref<80x128xi32, #tpu.memory_space<vmem>>)
      tpu.yield
    }) : () -> ()
    %barrier3A = arith.constant 0 : index
    tpu.barrier barrier_id(%barrier3A)
    %scan3A_19 = arith.constant 0 : i32
    %scan3A_20 = arith.constant 80 : i32
    %scan3A_21 = arith.addi %scan3A_19, %scan3A_20 : i32
    %scan3A_22 = arith.constant 1 : i32
    scf.for %scan3A_25 = %scan3A_19 to %scan3A_21 step %scan3A_22  : i32 {
      %mul3A_26 = arith.constant 1 : i32
      %mul3A_27 = arith.muli %scan3A_25, %mul3A_26 : i32
      %add3A_28 = arith.constant 0 : i32
      %add3A_29 = arith.addi %add3A_28, %mul3A_27 : i32
      "tpu.region"() ({
        %run_scoped3A = tpu.sem_alloc : memref<!tpu.dma_semaphore, #tpu.memory_space<semaphore_mem>>
        %dma_start3A = arith.constant 0 : i32
        %dma_start3A_30 = tpu.memref_slice %arg5[%add3A_29, %dma_start3A] : memref<80x128xi32, #tpu.memory_space<vmem>> -> memref<1x128xi32, #tpu.memory_space<vmem>>
        %dma_start3A_31 = tpu.memref_squeeze %dma_start3A_30 : memref<1x128xi32, #tpu.memory_space<vmem>> -> memref<128xi32, #tpu.memory_space<vmem>>
        %dma_start3A_32 = arith.constant 0 : i32
        %dma_start3A_33 = arith.constant 0 : i32
        %dma_start3A_34 = tpu.memref_slice %arg4[%dma_start3A_32, %dma_start3A_33] : memref<6144x16xf32, #tpu.memory_space<vmem_shared>> -> memref<6144x16xf32, #tpu.memory_space<vmem_shared>>
        tpu.enqueue_indirect_dma source(%arg6 : memref<128x16xf32, #tpu.memory_space<vmem>>) target(%dma_start3A_34 : memref<6144x16xf32, #tpu.memory_space<vmem_shared>>) offsets(%dma_start3A_31 : memref<128xi32, #tpu.memory_space<vmem>>) semaphore(%run_scoped3A : memref<!tpu.dma_semaphore, #tpu.memory_space<semaphore_mem>>) {add = true}
        %dma_wait3A = arith.constant 0 : i32
        %dma_wait3A_35 = tpu.memref_slice %arg5[%add3A_29, %dma_wait3A] : memref<80x128xi32, #tpu.memory_space<vmem>> -> memref<1x128xi32, #tpu.memory_space<vmem>>
        %dma_wait3A_36 = tpu.memref_squeeze %dma_wait3A_35 : memref<1x128xi32, #tpu.memory_space<vmem>> -> memref<128xi32, #tpu.memory_space<vmem>>
        %dma_wait3A_37 = arith.constant 0 : i32
        %dma_wait3A_38 = arith.constant 0 : i32
        %dma_wait3A_39 = tpu.memref_slice %arg4[%dma_wait3A_37, %dma_wait3A_38] : memref<6144x16xf32, #tpu.memory_space<vmem_shared>> -> memref<6144x16xf32, #tpu.memory_space<vmem_shared>>
        tpu.wait_indirect_dma semaphore(%run_scoped3A : memref<!tpu.dma_semaphore, #tpu.memory_space<semaphore_mem>>) src(%arg6 : memref<128x16xf32, #tpu.memory_space<vmem>>) dst(%dma_wait3A_39 : memref<6144x16xf32, #tpu.memory_space<vmem_shared>>)
        tpu.yield
      }) : () -> ()
    }
    %scan3A_23 = arith.constant 80 : i32
    %barrier3A_24 = arith.constant 0 : index
    tpu.barrier barrier_id(%barrier3A_24)
    "tpu.region"() ({
      %run_scoped3A = tpu.sem_alloc : memref<!tpu.dma_semaphore, #tpu.memory_space<semaphore_mem>>
      %dma_start3A = arith.constant 0 : i32
      %dma_start3A_25 = arith.constant 0 : i32
      %dma_start3A_26 = tpu.memref_slice %arg3[%arg0, %dma_start3A, %dma_start3A_25] : memref<2x5120x16xf32, #tpu.memory_space<hbm>> -> memref<1x5120x16xf32, #tpu.memory_space<hbm>>
      %dma_start3A_27 = tpu.memref_squeeze %dma_start3A_26 : memref<1x5120x16xf32, #tpu.memory_space<hbm>> -> memref<5120x16xf32, #tpu.memory_space<hbm>>
      %dma_start3A_28 = arith.constant 0 : i32
      %dma_start3A_29 = tpu.memref_slice %dma_start3A_27[%mul3A_6, %dma_start3A_28] : memref<5120x16xf32, #tpu.memory_space<hbm>> -> memref<320x16xf32, #tpu.memory_space<hbm>>
      %dma_start3A_30 = arith.constant 0 : i32
      %dma_start3A_31 = tpu.memref_slice %arg4[%mul3A_6, %dma_start3A_30] : memref<6144x16xf32, #tpu.memory_space<vmem_shared>> -> memref<320x16xf32, #tpu.memory_space<vmem_shared>>
      tpu.enqueue_dma source(%dma_start3A_31 : memref<320x16xf32, #tpu.memory_space<vmem_shared>>) target(%dma_start3A_29 : memref<320x16xf32, #tpu.memory_space<hbm>>) target_semaphore(%run_scoped3A : memref<!tpu.dma_semaphore, #tpu.memory_space<semaphore_mem>>)
      %dma_wait3A = arith.constant 0 : i32
      %dma_wait3A_32 = arith.constant 0 : i32
      %dma_wait3A_33 = tpu.memref_slice %arg3[%arg0, %dma_wait3A, %dma_wait3A_32] : memref<2x5120x16xf32, #tpu.memory_space<hbm>> -> memref<1x5120x16xf32, #tpu.memory_space<hbm>>
      %dma_wait3A_34 = tpu.memref_squeeze %dma_wait3A_33 : memref<1x5120x16xf32, #tpu.memory_space<hbm>> -> memref<5120x16xf32, #tpu.memory_space<hbm>>
      %dma_wait3A_35 = arith.constant 0 : i32
      %dma_wait3A_36 = tpu.memref_slice %dma_wait3A_34[%mul3A_6, %dma_wait3A_35] : memref<5120x16xf32, #tpu.memory_space<hbm>> -> memref<320x16xf32, #tpu.memory_space<hbm>>
      %dma_wait3A_37 = arith.constant 0 : i32
      %dma_wait3A_38 = tpu.memref_slice %arg4[%mul3A_6, %dma_wait3A_37] : memref<6144x16xf32, #tpu.memory_space<vmem_shared>> -> memref<320x16xf32, #tpu.memory_space<vmem_shared>>
      tpu.wait_dma2 semaphore(%run_scoped3A : memref<!tpu.dma_semaphore, #tpu.memory_space<semaphore_mem>>) src(%dma_wait3A_38 : memref<320x16xf32, #tpu.memory_space<vmem_shared>>) dst(%dma_wait3A_36 : memref<320x16xf32, #tpu.memory_space<hbm>>)
      tpu.yield
    }) : () -> ()
    return
  }
}

#map = affine_map<(d0, d1) -> (0, 0)>
#map1 = affine_map<(d0, d1) -> (0, 0, 0)>
module attributes {stable_mosaic.version = 14 : i64} {
  func.func @sc_agg(%arg0: i32, %arg1: i32, %arg2: memref<5008x64xi32, #tpu.memory_space<hbm>>, %arg3: memref<32x80x128xi32, #tpu.memory_space<hbm>>, %arg4: memref<32x80x128xi32, #tpu.memory_space<hbm>>, %arg5: memref<2x5120x128xf32, #tpu.memory_space<hbm>>, %arg6: memref<5120x128xf32, #tpu.memory_space<vmem_shared>>, %arg7: memref<2x16x128xi32, #tpu.memory_space<vmem>>, %arg8: memref<2x16x128xi32, #tpu.memory_space<vmem>>, %arg9: memref<128x64xi32, #tpu.memory_space<vmem>>, %arg10: memref<128x64xi32, #tpu.memory_space<vmem>>, %arg11: memref<128x64xi32, #tpu.memory_space<vmem>>, %arg12: memref<128x64xi32, #tpu.memory_space<vmem>>, %arg13: memref<128x128xf32, #tpu.memory_space<vmem>>, %arg14: memref<128x128xf32, #tpu.memory_space<vmem>>, %arg15: memref<!tpu.dma_semaphore, #tpu.memory_space<semaphore_mem>>, %arg16: memref<!tpu.dma_semaphore, #tpu.memory_space<semaphore_mem>>, %arg17: memref<!tpu.dma_semaphore, #tpu.memory_space<semaphore_mem>>, %arg18: memref<!tpu.dma_semaphore, #tpu.memory_space<semaphore_mem>>, %arg19: memref<!tpu.dma_semaphore, #tpu.memory_space<semaphore_mem>>, %arg20: memref<!tpu.dma_semaphore, #tpu.memory_space<semaphore_mem>>, %arg21: memref<!tpu.dma_semaphore, #tpu.memory_space<semaphore_mem>>) attributes {dimension_semantics = [#tpu.dimension_semantics<core_parallel>, #tpu.dimension_semantics<subcore_parallel>], iteration_bounds = array<i64: 2, 16>, scalar_prefetch = 0 : i64, scratch_operands = 16 : i64, tpu.core_type = #tpu.core_type<sc_vector_subcore>, window_params = [{transform_indices = #map}, {transform_indices = #map1}, {transform_indices = #map1}, {transform_indices = #map1}]} {
    %mul3A = arith.constant 16 : i32
    %mul3A_0 = arith.muli %arg0, %mul3A : i32
    %add3A = arith.addi %mul3A_0, %arg1 : i32
    %scan3A = arith.constant 0 : i32
    %scan3A_1 = arith.constant 128 : i32
    %scan3A_2 = arith.addi %scan3A, %scan3A_1 : i32
    %scan3A_3 = arith.constant 1 : i32
    scf.for %scan3A_66 = %scan3A to %scan3A_2 step %scan3A_3  : i32 {
      %mul3A_67 = arith.constant 1 : i32
      %mul3A_68 = arith.muli %scan3A_66, %mul3A_67 : i32
      %add3A_69 = arith.constant 0 : i32
      %add3A_70 = arith.addi %add3A_69, %mul3A_68 : i32
      %scan3A_71 = arith.constant 0 : i32
      %scan3A_72 = arith.constant 8 : i32
      %scan3A_73 = arith.addi %scan3A_71, %scan3A_72 : i32
      %scan3A_74 = arith.constant 1 : i32
      scf.for %scan3A_76 = %scan3A_71 to %scan3A_73 step %scan3A_74  : i32 {
        %mul3A_77 = arith.constant 16 : i32
        %mul3A_78 = arith.muli %scan3A_76, %mul3A_77 : i32
        %add3A_79 = arith.constant 0 : i32
        %add3A_80 = arith.addi %add3A_79, %mul3A_78 : i32
        %broadcast_in_dim3A = arith.constant 0.000000e+00 : f32
        %broadcast_in_dim3A_81 = vector.broadcast %broadcast_in_dim3A : f32 to vector<16xf32>
        %swap3A = arith.index_cast %add3A_70 : i32 to index
        %swap3A_82 = arith.index_cast %add3A_80 : i32 to index
        %swap3A_83 = tpu.vector_load %arg13[%swap3A, %swap3A_82] {strides = array<i32>} : memref<128x128xf32, #tpu.memory_space<vmem>>, vector<16xf32>,
        tpu.vector_store %arg13[%swap3A, %swap3A_82], %broadcast_in_dim3A_81 {strides = array<i32>} : memref<128x128xf32, #tpu.memory_space<vmem>>, vector<16xf32>,
      }
      %scan3A_75 = arith.constant 8 : i32
    }
    %scan3A_4 = arith.constant 128 : i32
    %mul3A_5 = arith.constant 320 : i32
    %mul3A_6 = arith.muli %arg1, %mul3A_5 : i32
    %scan3A_7 = arith.constant 0 : i32
    %scan3A_8 = arith.constant 2 : i32
    %scan3A_9 = arith.addi %scan3A_7, %scan3A_8 : i32
    %scan3A_10 = arith.constant 1 : i32
    scf.for %scan3A_66 = %scan3A_7 to %scan3A_9 step %scan3A_10  : i32 {
      %mul3A_67 = arith.constant 1 : i32
      %mul3A_68 = arith.muli %scan3A_66, %mul3A_67 : i32
      %add3A_69 = arith.constant 0 : i32
      %add3A_70 = arith.addi %add3A_69, %mul3A_68 : i32
      %mul3A_71 = arith.constant 128 : i32
      %mul3A_72 = arith.muli %add3A_70, %mul3A_71 : i32
      %add3A_73 = arith.addi %mul3A_6, %mul3A_72 : i32
      "tpu.region"() ({
        %run_scoped3A_74 = tpu.sem_alloc : memref<!tpu.dma_semaphore, #tpu.memory_space<semaphore_mem>>
        %dma_start3A_75 = arith.constant 0 : i32
        %dma_start3A_76 = tpu.memref_slice %arg6[%add3A_73, %dma_start3A_75] : memref<5120x128xf32, #tpu.memory_space<vmem_shared>> -> memref<128x128xf32, #tpu.memory_space<vmem_shared>>
        %dma_start3A_77 = arith.constant 0 : i32
        %dma_start3A_78 = tpu.memref_slice %arg6[%add3A_73, %dma_start3A_77] : memref<5120x128xf32, #tpu.memory_space<vmem_shared>> -> memref<128x128xf32, #tpu.memory_space<vmem_shared>>
        tpu.enqueue_dma source(%arg13 : memref<128x128xf32, #tpu.memory_space<vmem>>) target(%dma_start3A_78 : memref<128x128xf32, #tpu.memory_space<vmem_shared>>) target_semaphore(%run_scoped3A_74 : memref<!tpu.dma_semaphore, #tpu.memory_space<semaphore_mem>>)
        %dma_wait3A = arith.constant 0 : i32
        %dma_wait3A_79 = tpu.memref_slice %arg6[%add3A_73, %dma_wait3A] : memref<5120x128xf32, #tpu.memory_space<vmem_shared>> -> memref<128x128xf32, #tpu.memory_space<vmem_shared>>
        %dma_wait3A_80 = arith.constant 0 : i32
        %dma_wait3A_81 = tpu.memref_slice %arg6[%add3A_73, %dma_wait3A_80] : memref<5120x128xf32, #tpu.memory_space<vmem_shared>> -> memref<128x128xf32, #tpu.memory_space<vmem_shared>>
        tpu.wait_dma2 semaphore(%run_scoped3A_74 : memref<!tpu.dma_semaphore, #tpu.memory_space<semaphore_mem>>) src(%arg13 : memref<128x128xf32, #tpu.memory_space<vmem>>) dst(%dma_wait3A_81 : memref<128x128xf32, #tpu.memory_space<vmem_shared>>)
        tpu.yield
      }) : () -> ()
    }
    %scan3A_11 = arith.constant 2 : i32
    %add3A_12 = arith.constant 256 : i32
    %add3A_13 = arith.addi %mul3A_6, %add3A_12 : i32
    "tpu.region"() ({
      %run_scoped3A_66 = tpu.sem_alloc : memref<!tpu.dma_semaphore, #tpu.memory_space<semaphore_mem>>
      %dma_start3A_67 = arith.constant 0 : i32
      %dma_start3A_68 = arith.constant 0 : i32
      %dma_start3A_69 = tpu.memref_slice %arg13[%dma_start3A_67, %dma_start3A_68] : memref<128x128xf32, #tpu.memory_space<vmem>> -> memref<64x128xf32, #tpu.memory_space<vmem>>
      %dma_start3A_70 = arith.constant 0 : i32
      %dma_start3A_71 = tpu.memref_slice %arg6[%add3A_13, %dma_start3A_70] : memref<5120x128xf32, #tpu.memory_space<vmem_shared>> -> memref<64x128xf32, #tpu.memory_space<vmem_shared>>
      %dma_start3A_72 = arith.constant 0 : i32
      %dma_start3A_73 = tpu.memref_slice %arg6[%add3A_13, %dma_start3A_72] : memref<5120x128xf32, #tpu.memory_space<vmem_shared>> -> memref<64x128xf32, #tpu.memory_space<vmem_shared>>
      %dma_start3A_74 = arith.constant 0 : i32
      %dma_start3A_75 = arith.constant 0 : i32
      %dma_start3A_76 = tpu.memref_slice %arg13[%dma_start3A_74, %dma_start3A_75] : memref<128x128xf32, #tpu.memory_space<vmem>> -> memref<64x128xf32, #tpu.memory_space<vmem>>
      tpu.enqueue_dma source(%dma_start3A_76 : memref<64x128xf32, #tpu.memory_space<vmem>>) target(%dma_start3A_73 : memref<64x128xf32, #tpu.memory_space<vmem_shared>>) target_semaphore(%run_scoped3A_66 : memref<!tpu.dma_semaphore, #tpu.memory_space<semaphore_mem>>)
      %dma_wait3A = arith.constant 0 : i32
      %dma_wait3A_77 = arith.constant 0 : i32
      %dma_wait3A_78 = tpu.memref_slice %arg13[%dma_wait3A, %dma_wait3A_77] : memref<128x128xf32, #tpu.memory_space<vmem>> -> memref<64x128xf32, #tpu.memory_space<vmem>>
      %dma_wait3A_79 = arith.constant 0 : i32
      %dma_wait3A_80 = tpu.memref_slice %arg6[%add3A_13, %dma_wait3A_79] : memref<5120x128xf32, #tpu.memory_space<vmem_shared>> -> memref<64x128xf32, #tpu.memory_space<vmem_shared>>
      %dma_wait3A_81 = arith.constant 0 : i32
      %dma_wait3A_82 = tpu.memref_slice %arg6[%add3A_13, %dma_wait3A_81] : memref<5120x128xf32, #tpu.memory_space<vmem_shared>> -> memref<64x128xf32, #tpu.memory_space<vmem_shared>>
      %dma_wait3A_83 = arith.constant 0 : i32
      %dma_wait3A_84 = arith.constant 0 : i32
      %dma_wait3A_85 = tpu.memref_slice %arg13[%dma_wait3A_83, %dma_wait3A_84] : memref<128x128xf32, #tpu.memory_space<vmem>> -> memref<64x128xf32, #tpu.memory_space<vmem>>
      tpu.wait_dma2 semaphore(%run_scoped3A_66 : memref<!tpu.dma_semaphore, #tpu.memory_space<semaphore_mem>>) src(%dma_wait3A_85 : memref<64x128xf32, #tpu.memory_space<vmem>>) dst(%dma_wait3A_82 : memref<64x128xf32, #tpu.memory_space<vmem_shared>>)
      tpu.yield
    }) : () -> ()
    %barrier3A = arith.constant 0 : index
    tpu.barrier barrier_id(%barrier3A)
    %run_scoped3A = arith.constant 0 : i32
    "tpu.region"() ({
      %run_scoped3A_66 = tpu.sem_alloc : memref<!tpu.dma_semaphore, #tpu.memory_space<semaphore_mem>>
      %dma_start3A_67 = arith.constant 0 : i32
      %dma_start3A_68 = arith.constant 0 : i32
      %dma_start3A_69 = tpu.memref_slice %arg7[%run_scoped3A, %dma_start3A_67, %dma_start3A_68] : memref<2x16x128xi32, #tpu.memory_space<vmem>> -> memref<1x16x128xi32, #tpu.memory_space<vmem>>
      %dma_start3A_70 = tpu.memref_squeeze %dma_start3A_69 : memref<1x16x128xi32, #tpu.memory_space<vmem>> -> memref<16x128xi32, #tpu.memory_space<vmem>>
      %dma_start3A_71 = arith.constant 0 : i32
      %dma_start3A_72 = arith.constant 0 : i32
      %dma_start3A_73 = tpu.memref_slice %arg3[%add3A, %dma_start3A_71, %dma_start3A_72] : memref<32x80x128xi32, #tpu.memory_space<hbm>> -> memref<1x80x128xi32, #tpu.memory_space<hbm>>
      %dma_start3A_74 = tpu.memref_squeeze %dma_start3A_73 : memref<1x80x128xi32, #tpu.memory_space<hbm>> -> memref<80x128xi32, #tpu.memory_space<hbm>>
      %dma_start3A_75 = arith.constant 0 : i32
      %dma_start3A_76 = arith.constant 0 : i32
      %dma_start3A_77 = tpu.memref_slice %dma_start3A_74[%dma_start3A_75, %dma_start3A_76] : memref<80x128xi32, #tpu.memory_space<hbm>> -> memref<16x128xi32, #tpu.memory_space<hbm>>
      %dma_start3A_78 = arith.constant 0 : i32
      %dma_start3A_79 = arith.constant 0 : i32
      %dma_start3A_80 = tpu.memref_slice %arg7[%run_scoped3A, %dma_start3A_78, %dma_start3A_79] : memref<2x16x128xi32, #tpu.memory_space<vmem>> -> memref<1x16x128xi32, #tpu.memory_space<vmem>>
      %dma_start3A_81 = tpu.memref_squeeze %dma_start3A_80 : memref<1x16x128xi32, #tpu.memory_space<vmem>> -> memref<16x128xi32, #tpu.memory_space<vmem>>
      %dma_start3A_82 = arith.constant 0 : i32
      %dma_start3A_83 = arith.constant 0 : i32
      %dma_start3A_84 = tpu.memref_slice %arg3[%add3A, %dma_start3A_82, %dma_start3A_83] : memref<32x80x128xi32, #tpu.memory_space<hbm>> -> memref<1x80x128xi32, #tpu.memory_space<hbm>>
      %dma_start3A_85 = tpu.memref_squeeze %dma_start3A_84 : memref<1x80x128xi32, #tpu.memory_space<hbm>> -> memref<80x128xi32, #tpu.memory_space<hbm>>
      %dma_start3A_86 = arith.constant 0 : i32
      %dma_start3A_87 = arith.constant 0 : i32
      %dma_start3A_88 = tpu.memref_slice %dma_start3A_85[%dma_start3A_86, %dma_start3A_87] : memref<80x128xi32, #tpu.memory_space<hbm>> -> memref<16x128xi32, #tpu.memory_space<hbm>>
      tpu.enqueue_dma source(%dma_start3A_88 : memref<16x128xi32, #tpu.memory_space<hbm>>) target(%dma_start3A_81 : memref<16x128xi32, #tpu.memory_space<vmem>>) target_semaphore(%run_scoped3A_66 : memref<!tpu.dma_semaphore, #tpu.memory_space<semaphore_mem>>)
      %dma_wait3A = arith.constant 0 : i32
      %dma_wait3A_89 = arith.constant 0 : i32
      %dma_wait3A_90 = tpu.memref_slice %arg7[%run_scoped3A, %dma_wait3A, %dma_wait3A_89] : memref<2x16x128xi32, #tpu.memory_space<vmem>> -> memref<1x16x128xi32, #tpu.memory_space<vmem>>
      %dma_wait3A_91 = tpu.memref_squeeze %dma_wait3A_90 : memref<1x16x128xi32, #tpu.memory_space<vmem>> -> memref<16x128xi32, #tpu.memory_space<vmem>>
      %dma_wait3A_92 = arith.constant 0 : i32
      %dma_wait3A_93 = arith.constant 0 : i32
      %dma_wait3A_94 = tpu.memref_slice %arg3[%add3A, %dma_wait3A_92, %dma_wait3A_93] : memref<32x80x128xi32, #tpu.memory_space<hbm>> -> memref<1x80x128xi32, #tpu.memory_space<hbm>>
      %dma_wait3A_95 = tpu.memref_squeeze %dma_wait3A_94 : memref<1x80x128xi32, #tpu.memory_space<hbm>> -> memref<80x128xi32, #tpu.memory_space<hbm>>
      %dma_wait3A_96 = arith.constant 0 : i32
      %dma_wait3A_97 = arith.constant 0 : i32
      %dma_wait3A_98 = tpu.memref_slice %dma_wait3A_95[%dma_wait3A_96, %dma_wait3A_97] : memref<80x128xi32, #tpu.memory_space<hbm>> -> memref<16x128xi32, #tpu.memory_space<hbm>>
      %dma_wait3A_99 = arith.constant 0 : i32
      %dma_wait3A_100 = arith.constant 0 : i32
      %dma_wait3A_101 = tpu.memref_slice %arg7[%run_scoped3A, %dma_wait3A_99, %dma_wait3A_100] : memref<2x16x128xi32, #tpu.memory_space<vmem>> -> memref<1x16x128xi32, #tpu.memory_space<vmem>>
      %dma_wait3A_102 = tpu.memref_squeeze %dma_wait3A_101 : memref<1x16x128xi32, #tpu.memory_space<vmem>> -> memref<16x128xi32, #tpu.memory_space<vmem>>
      %dma_wait3A_103 = arith.constant 0 : i32
      %dma_wait3A_104 = arith.constant 0 : i32
      %dma_wait3A_105 = tpu.memref_slice %arg3[%add3A, %dma_wait3A_103, %dma_wait3A_104] : memref<32x80x128xi32, #tpu.memory_space<hbm>> -> memref<1x80x128xi32, #tpu.memory_space<hbm>>
      %dma_wait3A_106 = tpu.memref_squeeze %dma_wait3A_105 : memref<1x80x128xi32, #tpu.memory_space<hbm>> -> memref<80x128xi32, #tpu.memory_space<hbm>>
      %dma_wait3A_107 = arith.constant 0 : i32
      %dma_wait3A_108 = arith.constant 0 : i32
      %dma_wait3A_109 = tpu.memref_slice %dma_wait3A_106[%dma_wait3A_107, %dma_wait3A_108] : memref<80x128xi32, #tpu.memory_space<hbm>> -> memref<16x128xi32, #tpu.memory_space<hbm>>
      tpu.wait_dma2 semaphore(%run_scoped3A_66 : memref<!tpu.dma_semaphore, #tpu.memory_space<semaphore_mem>>) src(%dma_wait3A_109 : memref<16x128xi32, #tpu.memory_space<hbm>>) dst(%dma_wait3A_102 : memref<16x128xi32, #tpu.memory_space<vmem>>)
      tpu.yield
    }) : () -> ()
    %run_scoped3A_14 = arith.constant 0 : i32
    "tpu.region"() ({
      %run_scoped3A_66 = tpu.sem_alloc : memref<!tpu.dma_semaphore, #tpu.memory_space<semaphore_mem>>
      %dma_start3A_67 = arith.constant 0 : i32
      %dma_start3A_68 = arith.constant 0 : i32
      %dma_start3A_69 = tpu.memref_slice %arg8[%run_scoped3A_14, %dma_start3A_67, %dma_start3A_68] : memref<2x16x128xi32, #tpu.memory_space<vmem>> -> memref<1x16x128xi32, #tpu.memory_space<vmem>>
      %dma_start3A_70 = tpu.memref_squeeze %dma_start3A_69 : memref<1x16x128xi32, #tpu.memory_space<vmem>> -> memref<16x128xi32, #tpu.memory_space<vmem>>
      %dma_start3A_71 = arith.constant 0 : i32
      %dma_start3A_72 = arith.constant 0 : i32
      %dma_start3A_73 = tpu.memref_slice %arg4[%add3A, %dma_start3A_71, %dma_start3A_72] : memref<32x80x128xi32, #tpu.memory_space<hbm>> -> memref<1x80x128xi32, #tpu.memory_space<hbm>>
      %dma_start3A_74 = tpu.memref_squeeze %dma_start3A_73 : memref<1x80x128xi32, #tpu.memory_space<hbm>> -> memref<80x128xi32, #tpu.memory_space<hbm>>
      %dma_start3A_75 = arith.constant 0 : i32
      %dma_start3A_76 = arith.constant 0 : i32
      %dma_start3A_77 = tpu.memref_slice %dma_start3A_74[%dma_start3A_75, %dma_start3A_76] : memref<80x128xi32, #tpu.memory_space<hbm>> -> memref<16x128xi32, #tpu.memory_space<hbm>>
      %dma_start3A_78 = arith.constant 0 : i32
      %dma_start3A_79 = arith.constant 0 : i32
      %dma_start3A_80 = tpu.memref_slice %arg8[%run_scoped3A_14, %dma_start3A_78, %dma_start3A_79] : memref<2x16x128xi32, #tpu.memory_space<vmem>> -> memref<1x16x128xi32, #tpu.memory_space<vmem>>
      %dma_start3A_81 = tpu.memref_squeeze %dma_start3A_80 : memref<1x16x128xi32, #tpu.memory_space<vmem>> -> memref<16x128xi32, #tpu.memory_space<vmem>>
      %dma_start3A_82 = arith.constant 0 : i32
      %dma_start3A_83 = arith.constant 0 : i32
      %dma_start3A_84 = tpu.memref_slice %arg4[%add3A, %dma_start3A_82, %dma_start3A_83] : memref<32x80x128xi32, #tpu.memory_space<hbm>> -> memref<1x80x128xi32, #tpu.memory_space<hbm>>
      %dma_start3A_85 = tpu.memref_squeeze %dma_start3A_84 : memref<1x80x128xi32, #tpu.memory_space<hbm>> -> memref<80x128xi32, #tpu.memory_space<hbm>>
      %dma_start3A_86 = arith.constant 0 : i32
      %dma_start3A_87 = arith.constant 0 : i32
      %dma_start3A_88 = tpu.memref_slice %dma_start3A_85[%dma_start3A_86, %dma_start3A_87] : memref<80x128xi32, #tpu.memory_space<hbm>> -> memref<16x128xi32, #tpu.memory_space<hbm>>
      tpu.enqueue_dma source(%dma_start3A_88 : memref<16x128xi32, #tpu.memory_space<hbm>>) target(%dma_start3A_81 : memref<16x128xi32, #tpu.memory_space<vmem>>) target_semaphore(%run_scoped3A_66 : memref<!tpu.dma_semaphore, #tpu.memory_space<semaphore_mem>>)
      %dma_wait3A = arith.constant 0 : i32
      %dma_wait3A_89 = arith.constant 0 : i32
      %dma_wait3A_90 = tpu.memref_slice %arg8[%run_scoped3A_14, %dma_wait3A, %dma_wait3A_89] : memref<2x16x128xi32, #tpu.memory_space<vmem>> -> memref<1x16x128xi32, #tpu.memory_space<vmem>>
      %dma_wait3A_91 = tpu.memref_squeeze %dma_wait3A_90 : memref<1x16x128xi32, #tpu.memory_space<vmem>> -> memref<16x128xi32, #tpu.memory_space<vmem>>
      %dma_wait3A_92 = arith.constant 0 : i32
      %dma_wait3A_93 = arith.constant 0 : i32
      %dma_wait3A_94 = tpu.memref_slice %arg4[%add3A, %dma_wait3A_92, %dma_wait3A_93] : memref<32x80x128xi32, #tpu.memory_space<hbm>> -> memref<1x80x128xi32, #tpu.memory_space<hbm>>
      %dma_wait3A_95 = tpu.memref_squeeze %dma_wait3A_94 : memref<1x80x128xi32, #tpu.memory_space<hbm>> -> memref<80x128xi32, #tpu.memory_space<hbm>>
      %dma_wait3A_96 = arith.constant 0 : i32
      %dma_wait3A_97 = arith.constant 0 : i32
      %dma_wait3A_98 = tpu.memref_slice %dma_wait3A_95[%dma_wait3A_96, %dma_wait3A_97] : memref<80x128xi32, #tpu.memory_space<hbm>> -> memref<16x128xi32, #tpu.memory_space<hbm>>
      %dma_wait3A_99 = arith.constant 0 : i32
      %dma_wait3A_100 = arith.constant 0 : i32
      %dma_wait3A_101 = tpu.memref_slice %arg8[%run_scoped3A_14, %dma_wait3A_99, %dma_wait3A_100] : memref<2x16x128xi32, #tpu.memory_space<vmem>> -> memref<1x16x128xi32, #tpu.memory_space<vmem>>
      %dma_wait3A_102 = tpu.memref_squeeze %dma_wait3A_101 : memref<1x16x128xi32, #tpu.memory_space<vmem>> -> memref<16x128xi32, #tpu.memory_space<vmem>>
      %dma_wait3A_103 = arith.constant 0 : i32
      %dma_wait3A_104 = arith.constant 0 : i32
      %dma_wait3A_105 = tpu.memref_slice %arg4[%add3A, %dma_wait3A_103, %dma_wait3A_104] : memref<32x80x128xi32, #tpu.memory_space<hbm>> -> memref<1x80x128xi32, #tpu.memory_space<hbm>>
      %dma_wait3A_106 = tpu.memref_squeeze %dma_wait3A_105 : memref<1x80x128xi32, #tpu.memory_space<hbm>> -> memref<80x128xi32, #tpu.memory_space<hbm>>
      %dma_wait3A_107 = arith.constant 0 : i32
      %dma_wait3A_108 = arith.constant 0 : i32
      %dma_wait3A_109 = tpu.memref_slice %dma_wait3A_106[%dma_wait3A_107, %dma_wait3A_108] : memref<80x128xi32, #tpu.memory_space<hbm>> -> memref<16x128xi32, #tpu.memory_space<hbm>>
      tpu.wait_dma2 semaphore(%run_scoped3A_66 : memref<!tpu.dma_semaphore, #tpu.memory_space<semaphore_mem>>) src(%dma_wait3A_109 : memref<16x128xi32, #tpu.memory_space<hbm>>) dst(%dma_wait3A_102 : memref<16x128xi32, #tpu.memory_space<vmem>>)
      tpu.yield
    }) : () -> ()
    %dma_start3A = arith.constant 1 : i32
    %dma_start3A_15 = arith.constant 0 : i32
    %dma_start3A_16 = arith.constant 0 : i32
    %dma_start3A_17 = tpu.memref_slice %arg7[%dma_start3A, %dma_start3A_15, %dma_start3A_16] : memref<2x16x128xi32, #tpu.memory_space<vmem>> -> memref<1x16x128xi32, #tpu.memory_space<vmem>>
    %dma_start3A_18 = tpu.memref_squeeze %dma_start3A_17 : memref<1x16x128xi32, #tpu.memory_space<vmem>> -> memref<16x128xi32, #tpu.memory_space<vmem>>
    %dma_start3A_19 = arith.constant 0 : i32
    %dma_start3A_20 = arith.constant 0 : i32
    %dma_start3A_21 = tpu.memref_slice %arg3[%add3A, %dma_start3A_19, %dma_start3A_20] : memref<32x80x128xi32, #tpu.memory_space<hbm>> -> memref<1x80x128xi32, #tpu.memory_space<hbm>>
    %dma_start3A_22 = tpu.memref_squeeze %dma_start3A_21 : memref<1x80x128xi32, #tpu.memory_space<hbm>> -> memref<80x128xi32, #tpu.memory_space<hbm>>
    %dma_start3A_23 = arith.constant 16 : i32
    %dma_start3A_24 = arith.constant 0 : i32
    %dma_start3A_25 = tpu.memref_slice %dma_start3A_22[%dma_start3A_23, %dma_start3A_24] : memref<80x128xi32, #tpu.memory_space<hbm>> -> memref<16x128xi32, #tpu.memory_space<hbm>>
    %dma_start3A_26 = arith.constant 0 : i32
    %dma_start3A_27 = arith.constant 0 : i32
    %dma_start3A_28 = tpu.memref_slice %arg7[%dma_start3A, %dma_start3A_26, %dma_start3A_27] : memref<2x16x128xi32, #tpu.memory_space<vmem>> -> memref<1x16x128xi32, #tpu.memory_space<vmem>>
    %dma_start3A_29 = tpu.memref_squeeze %dma_start3A_28 : memref<1x16x128xi32, #tpu.memory_space<vmem>> -> memref<16x128xi32, #tpu.memory_space<vmem>>
    %dma_start3A_30 = arith.constant 0 : i32
    %dma_start3A_31 = arith.constant 0 : i32
    %dma_start3A_32 = tpu.memref_slice %arg3[%add3A, %dma_start3A_30, %dma_start3A_31] : memref<32x80x128xi32, #tpu.memory_space<hbm>> -> memref<1x80x128xi32, #tpu.memory_space<hbm>>
    %dma_start3A_33 = tpu.memref_squeeze %dma_start3A_32 : memref<1x80x128xi32, #tpu.memory_space<hbm>> -> memref<80x128xi32, #tpu.memory_space<hbm>>
    %dma_start3A_34 = arith.constant 16 : i32
    %dma_start3A_35 = arith.constant 0 : i32
    %dma_start3A_36 = tpu.memref_slice %dma_start3A_33[%dma_start3A_34, %dma_start3A_35] : memref<80x128xi32, #tpu.memory_space<hbm>> -> memref<16x128xi32, #tpu.memory_space<hbm>>
    tpu.enqueue_dma source(%dma_start3A_36 : memref<16x128xi32, #tpu.memory_space<hbm>>) target(%dma_start3A_29 : memref<16x128xi32, #tpu.memory_space<vmem>>) target_semaphore(%arg21 : memref<!tpu.dma_semaphore, #tpu.memory_space<semaphore_mem>>)
    %dma_start3A_37 = arith.constant 1 : i32
    %dma_start3A_38 = arith.constant 0 : i32
    %dma_start3A_39 = arith.constant 0 : i32
    %dma_start3A_40 = tpu.memref_slice %arg8[%dma_start3A_37, %dma_start3A_38, %dma_start3A_39] : memref<2x16x128xi32, #tpu.memory_space<vmem>> -> memref<1x16x128xi32, #tpu.memory_space<vmem>>
    %dma_start3A_41 = tpu.memref_squeeze %dma_start3A_40 : memref<1x16x128xi32, #tpu.memory_space<vmem>> -> memref<16x128xi32, #tpu.memory_space<vmem>>
    %dma_start3A_42 = arith.constant 0 : i32
    %dma_start3A_43 = arith.constant 0 : i32
    %dma_start3A_44 = tpu.memref_slice %arg4[%add3A, %dma_start3A_42, %dma_start3A_43] : memref<32x80x128xi32, #tpu.memory_space<hbm>> -> memref<1x80x128xi32, #tpu.memory_space<hbm>>
    %dma_start3A_45 = tpu.memref_squeeze %dma_start3A_44 : memref<1x80x128xi32, #tpu.memory_space<hbm>> -> memref<80x128xi32, #tpu.memory_space<hbm>>
    %dma_start3A_46 = arith.constant 16 : i32
    %dma_start3A_47 = arith.constant 0 : i32
    %dma_start3A_48 = tpu.memref_slice %dma_start3A_45[%dma_start3A_46, %dma_start3A_47] : memref<80x128xi32, #tpu.memory_space<hbm>> -> memref<16x128xi32, #tpu.memory_space<hbm>>
    %dma_start3A_49 = arith.constant 0 : i32
    %dma_start3A_50 = arith.constant 0 : i32
    %dma_start3A_51 = tpu.memref_slice %arg8[%dma_start3A_37, %dma_start3A_49, %dma_start3A_50] : memref<2x16x128xi32, #tpu.memory_space<vmem>> -> memref<1x16x128xi32, #tpu.memory_space<vmem>>
    %dma_start3A_52 = tpu.memref_squeeze %dma_start3A_51 : memref<1x16x128xi32, #tpu.memory_space<vmem>> -> memref<16x128xi32, #tpu.memory_space<vmem>>
    %dma_start3A_53 = arith.constant 0 : i32
    %dma_start3A_54 = arith.constant 0 : i32
    %dma_start3A_55 = tpu.memref_slice %arg4[%add3A, %dma_start3A_53, %dma_start3A_54] : memref<32x80x128xi32, #tpu.memory_space<hbm>> -> memref<1x80x128xi32, #tpu.memory_space<hbm>>
    %dma_start3A_56 = tpu.memref_squeeze %dma_start3A_55 : memref<1x80x128xi32, #tpu.memory_space<hbm>> -> memref<80x128xi32, #tpu.memory_space<hbm>>
    %dma_start3A_57 = arith.constant 16 : i32
    %dma_start3A_58 = arith.constant 0 : i32
    %dma_start3A_59 = tpu.memref_slice %dma_start3A_56[%dma_start3A_57, %dma_start3A_58] : memref<80x128xi32, #tpu.memory_space<hbm>> -> memref<16x128xi32, #tpu.memory_space<hbm>>
    tpu.enqueue_dma source(%dma_start3A_59 : memref<16x128xi32, #tpu.memory_space<hbm>>) target(%dma_start3A_52 : memref<16x128xi32, #tpu.memory_space<vmem>>) target_semaphore(%arg21 : memref<!tpu.dma_semaphore, #tpu.memory_space<semaphore_mem>>)
    %scan3A_60 = arith.constant 0 : i32
    %scan3A_61 = arith.constant 5 : i32
    %scan3A_62 = arith.addi %scan3A_60, %scan3A_61 : i32
    %scan3A_63 = arith.constant 1 : i32
    scf.for %scan3A_66 = %scan3A_60 to %scan3A_62 step %scan3A_63  : i32 {
      %mul3A_67 = arith.constant 1 : i32
      %mul3A_68 = arith.muli %scan3A_66, %mul3A_67 : i32
      %add3A_69 = arith.constant 0 : i32
      %add3A_70 = arith.addi %add3A_69, %mul3A_68 : i32
      %jit3A = arith.constant 2 : i32
      %eq3A = arith.constant 0 : i32
      %eq3A_71 = arith.cmpi eq, %jit3A, %eq3A : i32
      %jit3A_72 = arith.constant 1 : i32
      %select_n3A = arith.select %eq3A_71, %jit3A_72, %jit3A : i32
      %rem3A = arith.remsi %add3A_70, %select_n3A : i32
      %ne3A = arith.constant 0 : i32
      %ne3A_73 = arith.cmpi ne, %rem3A, %ne3A : i32
      %lt3A = arith.constant 0 : i32
      %lt3A_74 = arith.cmpi slt, %rem3A, %lt3A : i32
      %lt3A_75 = arith.constant 0 : i32
      %lt3A_76 = arith.cmpi slt, %select_n3A, %lt3A_75 : i32
      %ne3A_77 = arith.xori %lt3A_74, %lt3A_76 : i1
      %and3A = arith.andi %ne3A_77, %ne3A_73 : i1
      %add3A_78 = arith.addi %rem3A, %select_n3A : i32
      %select_n3A_79 = arith.select %and3A, %add3A_78, %rem3A : i32
      %gt3A = arith.constant 0 : i32
      %gt3A_80 = arith.cmpi sgt, %add3A_70, %gt3A : i32
      %convert_element_type3A = arith.extui %gt3A_80 : i1 to i32
      %cond3A = arith.constant 0 : i32
      %cond3A_81 = arith.cmpi ne, %convert_element_type3A, %cond3A : i32
      scf.if %cond3A_81 {
        %mul3A_137 = arith.constant 16 : i32
        %mul3A_138 = arith.muli %add3A_70, %mul3A_137 : i32
        %dma_wait3A_139 = arith.constant 0 : i32
        %dma_wait3A_140 = arith.constant 0 : i32
        %dma_wait3A_141 = tpu.memref_slice %arg7[%select_n3A_79, %dma_wait3A_139, %dma_wait3A_140] : memref<2x16x128xi32, #tpu.memory_space<vmem>> -> memref<1x16x128xi32, #tpu.memory_space<vmem>>
        %dma_wait3A_142 = tpu.memref_squeeze %dma_wait3A_141 : memref<1x16x128xi32, #tpu.memory_space<vmem>> -> memref<16x128xi32, #tpu.memory_space<vmem>>
        %dma_wait3A_143 = arith.constant 0 : i32
        %dma_wait3A_144 = arith.constant 0 : i32
        %dma_wait3A_145 = tpu.memref_slice %arg3[%add3A, %dma_wait3A_143, %dma_wait3A_144] : memref<32x80x128xi32, #tpu.memory_space<hbm>> -> memref<1x80x128xi32, #tpu.memory_space<hbm>>
        %dma_wait3A_146 = tpu.memref_squeeze %dma_wait3A_145 : memref<1x80x128xi32, #tpu.memory_space<hbm>> -> memref<80x128xi32, #tpu.memory_space<hbm>>
        %dma_wait3A_147 = arith.constant 0 : i32
        %dma_wait3A_148 = tpu.memref_slice %dma_wait3A_146[%mul3A_138, %dma_wait3A_147] : memref<80x128xi32, #tpu.memory_space<hbm>> -> memref<16x128xi32, #tpu.memory_space<hbm>>
        %dma_wait3A_149 = arith.constant 0 : i32
        %dma_wait3A_150 = arith.constant 0 : i32
        %dma_wait3A_151 = tpu.memref_slice %arg7[%select_n3A_79, %dma_wait3A_149, %dma_wait3A_150] : memref<2x16x128xi32, #tpu.memory_space<vmem>> -> memref<1x16x128xi32, #tpu.memory_space<vmem>>
        %dma_wait3A_152 = tpu.memref_squeeze %dma_wait3A_151 : memref<1x16x128xi32, #tpu.memory_space<vmem>> -> memref<16x128xi32, #tpu.memory_space<vmem>>
        %dma_wait3A_153 = arith.constant 0 : i32
        %dma_wait3A_154 = arith.constant 0 : i32
        %dma_wait3A_155 = tpu.memref_slice %arg3[%add3A, %dma_wait3A_153, %dma_wait3A_154] : memref<32x80x128xi32, #tpu.memory_space<hbm>> -> memref<1x80x128xi32, #tpu.memory_space<hbm>>
        %dma_wait3A_156 = tpu.memref_squeeze %dma_wait3A_155 : memref<1x80x128xi32, #tpu.memory_space<hbm>> -> memref<80x128xi32, #tpu.memory_space<hbm>>
        %dma_wait3A_157 = arith.constant 0 : i32
        %dma_wait3A_158 = tpu.memref_slice %dma_wait3A_156[%mul3A_138, %dma_wait3A_157] : memref<80x128xi32, #tpu.memory_space<hbm>> -> memref<16x128xi32, #tpu.memory_space<hbm>>
        tpu.wait_dma2 semaphore(%arg21 : memref<!tpu.dma_semaphore, #tpu.memory_space<semaphore_mem>>) src(%dma_wait3A_158 : memref<16x128xi32, #tpu.memory_space<hbm>>) dst(%dma_wait3A_152 : memref<16x128xi32, #tpu.memory_space<vmem>>)
        %mul3A_159 = arith.constant 16 : i32
        %mul3A_160 = arith.muli %add3A_70, %mul3A_159 : i32
        %dma_wait3A_161 = arith.constant 0 : i32
        %dma_wait3A_162 = arith.constant 0 : i32
        %dma_wait3A_163 = tpu.memref_slice %arg8[%select_n3A_79, %dma_wait3A_161, %dma_wait3A_162] : memref<2x16x128xi32, #tpu.memory_space<vmem>> -> memref<1x16x128xi32, #tpu.memory_space<vmem>>
        %dma_wait3A_164 = tpu.memref_squeeze %dma_wait3A_163 : memref<1x16x128xi32, #tpu.memory_space<vmem>> -> memref<16x128xi32, #tpu.memory_space<vmem>>
        %dma_wait3A_165 = arith.constant 0 : i32
        %dma_wait3A_166 = arith.constant 0 : i32
        %dma_wait3A_167 = tpu.memref_slice %arg4[%add3A, %dma_wait3A_165, %dma_wait3A_166] : memref<32x80x128xi32, #tpu.memory_space<hbm>> -> memref<1x80x128xi32, #tpu.memory_space<hbm>>
        %dma_wait3A_168 = tpu.memref_squeeze %dma_wait3A_167 : memref<1x80x128xi32, #tpu.memory_space<hbm>> -> memref<80x128xi32, #tpu.memory_space<hbm>>
        %dma_wait3A_169 = arith.constant 0 : i32
        %dma_wait3A_170 = tpu.memref_slice %dma_wait3A_168[%mul3A_160, %dma_wait3A_169] : memref<80x128xi32, #tpu.memory_space<hbm>> -> memref<16x128xi32, #tpu.memory_space<hbm>>
        %dma_wait3A_171 = arith.constant 0 : i32
        %dma_wait3A_172 = arith.constant 0 : i32
        %dma_wait3A_173 = tpu.memref_slice %arg8[%select_n3A_79, %dma_wait3A_171, %dma_wait3A_172] : memref<2x16x128xi32, #tpu.memory_space<vmem>> -> memref<1x16x128xi32, #tpu.memory_space<vmem>>
        %dma_wait3A_174 = tpu.memref_squeeze %dma_wait3A_173 : memref<1x16x128xi32, #tpu.memory_space<vmem>> -> memref<16x128xi32, #tpu.memory_space<vmem>>
        %dma_wait3A_175 = arith.constant 0 : i32
        %dma_wait3A_176 = arith.constant 0 : i32
        %dma_wait3A_177 = tpu.memref_slice %arg4[%add3A, %dma_wait3A_175, %dma_wait3A_176] : memref<32x80x128xi32, #tpu.memory_space<hbm>> -> memref<1x80x128xi32, #tpu.memory_space<hbm>>
        %dma_wait3A_178 = tpu.memref_squeeze %dma_wait3A_177 : memref<1x80x128xi32, #tpu.memory_space<hbm>> -> memref<80x128xi32, #tpu.memory_space<hbm>>
        %dma_wait3A_179 = arith.constant 0 : i32
        %dma_wait3A_180 = tpu.memref_slice %dma_wait3A_178[%mul3A_160, %dma_wait3A_179] : memref<80x128xi32, #tpu.memory_space<hbm>> -> memref<16x128xi32, #tpu.memory_space<hbm>>
        tpu.wait_dma2 semaphore(%arg21 : memref<!tpu.dma_semaphore, #tpu.memory_space<semaphore_mem>>) src(%dma_wait3A_180 : memref<16x128xi32, #tpu.memory_space<hbm>>) dst(%dma_wait3A_174 : memref<16x128xi32, #tpu.memory_space<vmem>>)
      } else {
      }
      %add3A_82 = arith.constant 1 : i32
      %add3A_83 = arith.addi %add3A_70, %add3A_82 : i32
      %lt3A_84 = arith.constant 5 : i32
      %lt3A_85 = arith.cmpi slt, %add3A_83, %lt3A_84 : i32
      %convert_element_type3A_86 = arith.extui %lt3A_85 : i1 to i32
      %cond3A_87 = arith.constant 0 : i32
      %cond3A_88 = arith.cmpi ne, %convert_element_type3A_86, %cond3A_87 : i32
      scf.if %cond3A_88 {
        %add3A_137 = arith.constant 1 : i32
        %add3A_138 = arith.addi %add3A_70, %add3A_137 : i32
        %jit3A_139 = arith.constant 2 : i32
        %eq3A_140 = arith.constant 0 : i32
        %eq3A_141 = arith.cmpi eq, %jit3A_139, %eq3A_140 : i32
        %jit3A_142 = arith.constant 1 : i32
        %select_n3A_143 = arith.select %eq3A_141, %jit3A_142, %jit3A_139 : i32
        %rem3A_144 = arith.remsi %add3A_138, %select_n3A_143 : i32
        %ne3A_145 = arith.constant 0 : i32
        %ne3A_146 = arith.cmpi ne, %rem3A_144, %ne3A_145 : i32
        %lt3A_147 = arith.constant 0 : i32
        %lt3A_148 = arith.cmpi slt, %rem3A_144, %lt3A_147 : i32
        %lt3A_149 = arith.constant 0 : i32
        %lt3A_150 = arith.cmpi slt, %select_n3A_143, %lt3A_149 : i32
        %ne3A_151 = arith.xori %lt3A_148, %lt3A_150 : i1
        %and3A_152 = arith.andi %ne3A_151, %ne3A_146 : i1
        %add3A_153 = arith.addi %rem3A_144, %select_n3A_143 : i32
        %select_n3A_154 = arith.select %and3A_152, %add3A_153, %rem3A_144 : i32
        %add3A_155 = arith.constant 1 : i32
        %add3A_156 = arith.addi %add3A_70, %add3A_155 : i32
        %mul3A_157 = arith.constant 16 : i32
        %mul3A_158 = arith.muli %add3A_156, %mul3A_157 : i32
        %dma_start3A_159 = arith.constant 0 : i32
        %dma_start3A_160 = arith.constant 0 : i32
        %dma_start3A_161 = tpu.memref_slice %arg7[%select_n3A_154, %dma_start3A_159, %dma_start3A_160] : memref<2x16x128xi32, #tpu.memory_space<vmem>> -> memref<1x16x128xi32, #tpu.memory_space<vmem>>
        %dma_start3A_162 = tpu.memref_squeeze %dma_start3A_161 : memref<1x16x128xi32, #tpu.memory_space<vmem>> -> memref<16x128xi32, #tpu.memory_space<vmem>>
        %dma_start3A_163 = arith.constant 0 : i32
        %dma_start3A_164 = arith.constant 0 : i32
        %dma_start3A_165 = tpu.memref_slice %arg3[%add3A, %dma_start3A_163, %dma_start3A_164] : memref<32x80x128xi32, #tpu.memory_space<hbm>> -> memref<1x80x128xi32, #tpu.memory_space<hbm>>
        %dma_start3A_166 = tpu.memref_squeeze %dma_start3A_165 : memref<1x80x128xi32, #tpu.memory_space<hbm>> -> memref<80x128xi32, #tpu.memory_space<hbm>>
        %dma_start3A_167 = arith.constant 0 : i32
        %dma_start3A_168 = tpu.memref_slice %dma_start3A_166[%mul3A_158, %dma_start3A_167] : memref<80x128xi32, #tpu.memory_space<hbm>> -> memref<16x128xi32, #tpu.memory_space<hbm>>
        %dma_start3A_169 = arith.constant 0 : i32
        %dma_start3A_170 = arith.constant 0 : i32
        %dma_start3A_171 = tpu.memref_slice %arg7[%select_n3A_154, %dma_start3A_169, %dma_start3A_170] : memref<2x16x128xi32, #tpu.memory_space<vmem>> -> memref<1x16x128xi32, #tpu.memory_space<vmem>>
        %dma_start3A_172 = tpu.memref_squeeze %dma_start3A_171 : memref<1x16x128xi32, #tpu.memory_space<vmem>> -> memref<16x128xi32, #tpu.memory_space<vmem>>
        %dma_start3A_173 = arith.constant 0 : i32
        %dma_start3A_174 = arith.constant 0 : i32
        %dma_start3A_175 = tpu.memref_slice %arg3[%add3A, %dma_start3A_173, %dma_start3A_174] : memref<32x80x128xi32, #tpu.memory_space<hbm>> -> memref<1x80x128xi32, #tpu.memory_space<hbm>>
        %dma_start3A_176 = tpu.memref_squeeze %dma_start3A_175 : memref<1x80x128xi32, #tpu.memory_space<hbm>> -> memref<80x128xi32, #tpu.memory_space<hbm>>
        %dma_start3A_177 = arith.constant 0 : i32
        %dma_start3A_178 = tpu.memref_slice %dma_start3A_176[%mul3A_158, %dma_start3A_177] : memref<80x128xi32, #tpu.memory_space<hbm>> -> memref<16x128xi32, #tpu.memory_space<hbm>>
        tpu.enqueue_dma source(%dma_start3A_178 : memref<16x128xi32, #tpu.memory_space<hbm>>) target(%dma_start3A_172 : memref<16x128xi32, #tpu.memory_space<vmem>>) target_semaphore(%arg21 : memref<!tpu.dma_semaphore, #tpu.memory_space<semaphore_mem>>)
        %add3A_179 = arith.constant 1 : i32
        %add3A_180 = arith.addi %add3A_70, %add3A_179 : i32
        %mul3A_181 = arith.constant 16 : i32
        %mul3A_182 = arith.muli %add3A_180, %mul3A_181 : i32
        %dma_start3A_183 = arith.constant 0 : i32
        %dma_start3A_184 = arith.constant 0 : i32
        %dma_start3A_185 = tpu.memref_slice %arg8[%select_n3A_154, %dma_start3A_183, %dma_start3A_184] : memref<2x16x128xi32, #tpu.memory_space<vmem>> -> memref<1x16x128xi32, #tpu.memory_space<vmem>>
        %dma_start3A_186 = tpu.memref_squeeze %dma_start3A_185 : memref<1x16x128xi32, #tpu.memory_space<vmem>> -> memref<16x128xi32, #tpu.memory_space<vmem>>
        %dma_start3A_187 = arith.constant 0 : i32
        %dma_start3A_188 = arith.constant 0 : i32
        %dma_start3A_189 = tpu.memref_slice %arg4[%add3A, %dma_start3A_187, %dma_start3A_188] : memref<32x80x128xi32, #tpu.memory_space<hbm>> -> memref<1x80x128xi32, #tpu.memory_space<hbm>>
        %dma_start3A_190 = tpu.memref_squeeze %dma_start3A_189 : memref<1x80x128xi32, #tpu.memory_space<hbm>> -> memref<80x128xi32, #tpu.memory_space<hbm>>
        %dma_start3A_191 = arith.constant 0 : i32
        %dma_start3A_192 = tpu.memref_slice %dma_start3A_190[%mul3A_182, %dma_start3A_191] : memref<80x128xi32, #tpu.memory_space<hbm>> -> memref<16x128xi32, #tpu.memory_space<hbm>>
        %dma_start3A_193 = arith.constant 0 : i32
        %dma_start3A_194 = arith.constant 0 : i32
        %dma_start3A_195 = tpu.memref_slice %arg8[%select_n3A_154, %dma_start3A_193, %dma_start3A_194] : memref<2x16x128xi32, #tpu.memory_space<vmem>> -> memref<1x16x128xi32, #tpu.memory_space<vmem>>
        %dma_start3A_196 = tpu.memref_squeeze %dma_start3A_195 : memref<1x16x128xi32, #tpu.memory_space<vmem>> -> memref<16x128xi32, #tpu.memory_space<vmem>>
        %dma_start3A_197 = arith.constant 0 : i32
        %dma_start3A_198 = arith.constant 0 : i32
        %dma_start3A_199 = tpu.memref_slice %arg4[%add3A, %dma_start3A_197, %dma_start3A_198] : memref<32x80x128xi32, #tpu.memory_space<hbm>> -> memref<1x80x128xi32, #tpu.memory_space<hbm>>
        %dma_start3A_200 = tpu.memref_squeeze %dma_start3A_199 : memref<1x80x128xi32, #tpu.memory_space<hbm>> -> memref<80x128xi32, #tpu.memory_space<hbm>>
        %dma_start3A_201 = arith.constant 0 : i32
        %dma_start3A_202 = tpu.memref_slice %dma_start3A_200[%mul3A_182, %dma_start3A_201] : memref<80x128xi32, #tpu.memory_space<hbm>> -> memref<16x128xi32, #tpu.memory_space<hbm>>
        tpu.enqueue_dma source(%dma_start3A_202 : memref<16x128xi32, #tpu.memory_space<hbm>>) target(%dma_start3A_196 : memref<16x128xi32, #tpu.memory_space<vmem>>) target_semaphore(%arg21 : memref<!tpu.dma_semaphore, #tpu.memory_space<semaphore_mem>>)
      } else {
      }
      %dma_start3A_89 = arith.constant 0 : i32
      %dma_start3A_90 = arith.constant 0 : i32
      %dma_start3A_91 = arith.constant 0 : i32
      %dma_start3A_92 = tpu.memref_slice %arg7[%select_n3A_79, %dma_start3A_90, %dma_start3A_91] : memref<2x16x128xi32, #tpu.memory_space<vmem>> -> memref<1x16x128xi32, #tpu.memory_space<vmem>>
      %dma_start3A_93 = tpu.memref_squeeze %dma_start3A_92 : memref<1x16x128xi32, #tpu.memory_space<vmem>> -> memref<16x128xi32, #tpu.memory_space<vmem>>
      %dma_start3A_94 = arith.constant 0 : i32
      %dma_start3A_95 = tpu.memref_slice %dma_start3A_93[%dma_start3A_89, %dma_start3A_94] : memref<16x128xi32, #tpu.memory_space<vmem>> -> memref<1x128xi32, #tpu.memory_space<vmem>>
      %dma_start3A_96 = tpu.memref_squeeze %dma_start3A_95 : memref<1x128xi32, #tpu.memory_space<vmem>> -> memref<128xi32, #tpu.memory_space<vmem>>
      %dma_start3A_97 = arith.constant 0 : i32
      %dma_start3A_98 = arith.constant 0 : i32
      %dma_start3A_99 = tpu.memref_slice %arg2[%dma_start3A_97, %dma_start3A_98] : memref<5008x64xi32, #tpu.memory_space<hbm>> -> memref<5008x64xi32, #tpu.memory_space<hbm>>
      tpu.enqueue_indirect_dma source(%dma_start3A_99 : memref<5008x64xi32, #tpu.memory_space<hbm>>) target(%arg9 : memref<128x64xi32, #tpu.memory_space<vmem>>) offsets(%dma_start3A_96 : memref<128xi32, #tpu.memory_space<vmem>>) semaphore(%arg15 : memref<!tpu.dma_semaphore, #tpu.memory_space<semaphore_mem>>)
      %dma_start3A_100 = arith.constant 1 : i32
      %dma_start3A_101 = arith.constant 0 : i32
      %dma_start3A_102 = arith.constant 0 : i32
      %dma_start3A_103 = tpu.memref_slice %arg7[%select_n3A_79, %dma_start3A_101, %dma_start3A_102] : memref<2x16x128xi32, #tpu.memory_space<vmem>> -> memref<1x16x128xi32, #tpu.memory_space<vmem>>
      %dma_start3A_104 = tpu.memref_squeeze %dma_start3A_103 : memref<1x16x128xi32, #tpu.memory_space<vmem>> -> memref<16x128xi32, #tpu.memory_space<vmem>>
      %dma_start3A_105 = arith.constant 0 : i32
      %dma_start3A_106 = tpu.memref_slice %dma_start3A_104[%dma_start3A_100, %dma_start3A_105] : memref<16x128xi32, #tpu.memory_space<vmem>> -> memref<1x128xi32, #tpu.memory_space<vmem>>
      %dma_start3A_107 = tpu.memref_squeeze %dma_start3A_106 : memref<1x128xi32, #tpu.memory_space<vmem>> -> memref<128xi32, #tpu.memory_space<vmem>>
      %dma_start3A_108 = arith.constant 0 : i32
      %dma_start3A_109 = arith.constant 0 : i32
      %dma_start3A_110 = tpu.memref_slice %arg2[%dma_start3A_108, %dma_start3A_109] : memref<5008x64xi32, #tpu.memory_space<hbm>> -> memref<5008x64xi32, #tpu.memory_space<hbm>>
      tpu.enqueue_indirect_dma source(%dma_start3A_110 : memref<5008x64xi32, #tpu.memory_space<hbm>>) target(%arg10 : memref<128x64xi32, #tpu.memory_space<vmem>>) offsets(%dma_start3A_107 : memref<128xi32, #tpu.memory_space<vmem>>) semaphore(%arg16 : memref<!tpu.dma_semaphore, #tpu.memory_space<semaphore_mem>>)
      %scan3A_111 = arith.constant 0 : i32
      %scan3A_112 = arith.constant 4 : i32
      %scan3A_113 = arith.addi %scan3A_111, %scan3A_112 : i32
      %scan3A_114 = arith.constant 1 : i32
      scf.for %scan3A_137 = %scan3A_111 to %scan3A_113 step %scan3A_114  : i32 {
        %mul3A_138 = arith.constant 4 : i32
        %mul3A_139 = arith.muli %scan3A_137, %mul3A_138 : i32
        %add3A_140 = arith.constant 0 : i32
        %add3A_141 = arith.addi %add3A_140, %mul3A_139 : i32
        %add3A_142 = arith.constant 0 : i32
        %add3A_143 = arith.addi %add3A_141, %add3A_142 : i32
        %dma_wait3A_144 = arith.constant 0 : i32
        %dma_wait3A_145 = arith.constant 0 : i32
        %dma_wait3A_146 = tpu.memref_slice %arg7[%select_n3A_79, %dma_wait3A_144, %dma_wait3A_145] : memref<2x16x128xi32, #tpu.memory_space<vmem>> -> memref<1x16x128xi32, #tpu.memory_space<vmem>>
        %dma_wait3A_147 = tpu.memref_squeeze %dma_wait3A_146 : memref<1x16x128xi32, #tpu.memory_space<vmem>> -> memref<16x128xi32, #tpu.memory_space<vmem>>
        %dma_wait3A_148 = arith.constant 0 : i32
        %dma_wait3A_149 = tpu.memref_slice %dma_wait3A_147[%add3A_143, %dma_wait3A_148] : memref<16x128xi32, #tpu.memory_space<vmem>> -> memref<1x128xi32, #tpu.memory_space<vmem>>
        %dma_wait3A_150 = tpu.memref_squeeze %dma_wait3A_149 : memref<1x128xi32, #tpu.memory_space<vmem>> -> memref<128xi32, #tpu.memory_space<vmem>>
        %dma_wait3A_151 = arith.constant 0 : i32
        %dma_wait3A_152 = arith.constant 0 : i32
        %dma_wait3A_153 = tpu.memref_slice %arg2[%dma_wait3A_151, %dma_wait3A_152] : memref<5008x64xi32, #tpu.memory_space<hbm>> -> memref<5008x64xi32, #tpu.memory_space<hbm>>
        tpu.wait_indirect_dma semaphore(%arg15 : memref<!tpu.dma_semaphore, #tpu.memory_space<semaphore_mem>>) src(%dma_wait3A_153 : memref<5008x64xi32, #tpu.memory_space<hbm>>) dst(%arg9 : memref<128x64xi32, #tpu.memory_space<vmem>>)
        %add3A_154 = arith.constant 2 : i32
        %add3A_155 = arith.addi %add3A_143, %add3A_154 : i32
        %lt3A_156 = arith.constant 16 : i32
        %lt3A_157 = arith.cmpi slt, %add3A_155, %lt3A_156 : i32
        %convert_element_type3A_158 = arith.extui %lt3A_157 : i1 to i32
        %cond3A_159 = arith.constant 0 : i32
        %cond3A_160 = arith.cmpi ne, %convert_element_type3A_158, %cond3A_159 : i32
        scf.if %cond3A_160 {
          %add3A_297 = arith.constant 2 : i32
          %add3A_298 = arith.addi %add3A_143, %add3A_297 : i32
          %dma_start3A_299 = arith.constant 0 : i32
          %dma_start3A_300 = arith.constant 0 : i32
          %dma_start3A_301 = tpu.memref_slice %arg7[%select_n3A_79, %dma_start3A_299, %dma_start3A_300] : memref<2x16x128xi32, #tpu.memory_space<vmem>> -> memref<1x16x128xi32, #tpu.memory_space<vmem>>
          %dma_start3A_302 = tpu.memref_squeeze %dma_start3A_301 : memref<1x16x128xi32, #tpu.memory_space<vmem>> -> memref<16x128xi32, #tpu.memory_space<vmem>>
          %dma_start3A_303 = arith.constant 0 : i32
          %dma_start3A_304 = tpu.memref_slice %dma_start3A_302[%add3A_298, %dma_start3A_303] : memref<16x128xi32, #tpu.memory_space<vmem>> -> memref<1x128xi32, #tpu.memory_space<vmem>>
          %dma_start3A_305 = tpu.memref_squeeze %dma_start3A_304 : memref<1x128xi32, #tpu.memory_space<vmem>> -> memref<128xi32, #tpu.memory_space<vmem>>
          %dma_start3A_306 = arith.constant 0 : i32
          %dma_start3A_307 = arith.constant 0 : i32
          %dma_start3A_308 = tpu.memref_slice %arg2[%dma_start3A_306, %dma_start3A_307] : memref<5008x64xi32, #tpu.memory_space<hbm>> -> memref<5008x64xi32, #tpu.memory_space<hbm>>
          tpu.enqueue_indirect_dma source(%dma_start3A_308 : memref<5008x64xi32, #tpu.memory_space<hbm>>) target(%arg11 : memref<128x64xi32, #tpu.memory_space<vmem>>) offsets(%dma_start3A_305 : memref<128xi32, #tpu.memory_space<vmem>>) semaphore(%arg17 : memref<!tpu.dma_semaphore, #tpu.memory_space<semaphore_mem>>)
        } else {
        }
        %ge3A = arith.constant 2 : i32
        %ge3A_161 = arith.cmpi sge, %add3A_143, %ge3A : i32
        %convert_element_type3A_162 = arith.extui %ge3A_161 : i1 to i32
        %cond3A_163 = arith.constant 0 : i32
        %cond3A_164 = arith.cmpi ne, %convert_element_type3A_162, %cond3A_163 : i32
        scf.if %cond3A_164 {
          %sub3A = arith.constant 2 : i32
          %sub3A_297 = arith.subi %add3A_143, %sub3A : i32
          %dma_wait3A_298 = arith.constant 0 : i32
          %dma_wait3A_299 = arith.constant 0 : i32
          %dma_wait3A_300 = tpu.memref_slice %arg8[%select_n3A_79, %dma_wait3A_298, %dma_wait3A_299] : memref<2x16x128xi32, #tpu.memory_space<vmem>> -> memref<1x16x128xi32, #tpu.memory_space<vmem>>
          %dma_wait3A_301 = tpu.memref_squeeze %dma_wait3A_300 : memref<1x16x128xi32, #tpu.memory_space<vmem>> -> memref<16x128xi32, #tpu.memory_space<vmem>>
          %dma_wait3A_302 = arith.constant 0 : i32
          %dma_wait3A_303 = tpu.memref_slice %dma_wait3A_301[%sub3A_297, %dma_wait3A_302] : memref<16x128xi32, #tpu.memory_space<vmem>> -> memref<1x128xi32, #tpu.memory_space<vmem>>
          %dma_wait3A_304 = tpu.memref_squeeze %dma_wait3A_303 : memref<1x128xi32, #tpu.memory_space<vmem>> -> memref<128xi32, #tpu.memory_space<vmem>>
          %dma_wait3A_305 = arith.constant 0 : i32
          %dma_wait3A_306 = arith.constant 0 : i32
          %dma_wait3A_307 = tpu.memref_slice %arg6[%dma_wait3A_305, %dma_wait3A_306] : memref<5120x128xf32, #tpu.memory_space<vmem_shared>> -> memref<5120x128xf32, #tpu.memory_space<vmem_shared>>
          tpu.wait_indirect_dma semaphore(%arg19 : memref<!tpu.dma_semaphore, #tpu.memory_space<semaphore_mem>>) src(%arg13 : memref<128x128xf32, #tpu.memory_space<vmem>>) dst(%dma_wait3A_307 : memref<5120x128xf32, #tpu.memory_space<vmem_shared>>)
        } else {
        }
        %scan3A_165 = arith.constant 0 : i32
        %scan3A_166 = arith.constant 128 : i32
        %scan3A_167 = arith.addi %scan3A_165, %scan3A_166 : i32
        %scan3A_168 = arith.constant 1 : i32
        scf.for %scan3A_297 = %scan3A_165 to %scan3A_167 step %scan3A_168  : i32 {
          %mul3A_298 = arith.constant 1 : i32
          %mul3A_299 = arith.muli %scan3A_297, %mul3A_298 : i32
          %add3A_300 = arith.constant 0 : i32
          %add3A_301 = arith.addi %add3A_300, %mul3A_299 : i32
          %get3A = arith.index_cast %add3A_301 : i32 to index
          %get3A_302 = arith.constant 0 : index
          %get3A_303 = tpu.vector_load %arg9[%get3A, %get3A_302] {strides = array<i32>} : memref<128x64xi32, #tpu.memory_space<vmem>>, vector<16xi32>,
          %shift_left3A = arith.constant 16 : i32
          %shift_left3A_304 = vector.broadcast %shift_left3A : i32 to vector<16xi32>
          %shift_left3A_305 = arith.shli %get3A_303, %shift_left3A_304 : vector<16xi32>
          %bitcast3A = vector.bitcast %shift_left3A_305 : vector<16xi32> to vector<16xf32>
          %and3A_306 = arith.constant -65536 : i32
          %and3A_307 = vector.broadcast %and3A_306 : i32 to vector<16xi32>
          %and3A_308 = arith.andi %get3A_303, %and3A_307 : vector<16xi32>
          %bitcast3A_309 = vector.bitcast %and3A_308 : vector<16xi32> to vector<16xf32>
          %swap3A = arith.index_cast %add3A_301 : i32 to index
          %swap3A_310 = arith.constant 0 : index
          %swap3A_311 = tpu.vector_load %arg13[%swap3A, %swap3A_310] {strides = array<i32>} : memref<128x128xf32, #tpu.memory_space<vmem>>, vector<16xf32>,
          tpu.vector_store %arg13[%swap3A, %swap3A_310], %bitcast3A {strides = array<i32>} : memref<128x128xf32, #tpu.memory_space<vmem>>, vector<16xf32>,
          %swap3A_312 = arith.index_cast %add3A_301 : i32 to index
          %swap3A_313 = arith.constant 64 : index
          %swap3A_314 = tpu.vector_load %arg13[%swap3A_312, %swap3A_313] {strides = array<i32>} : memref<128x128xf32, #tpu.memory_space<vmem>>, vector<16xf32>,
          tpu.vector_store %arg13[%swap3A_312, %swap3A_313], %bitcast3A_309 {strides = array<i32>} : memref<128x128xf32, #tpu.memory_space<vmem>>, vector<16xf32>,
          %get3A_315 = arith.index_cast %add3A_301 : i32 to index
          %get3A_316 = arith.constant 16 : index
          %get3A_317 = tpu.vector_load %arg9[%get3A_315, %get3A_316] {strides = array<i32>} : memref<128x64xi32, #tpu.memory_space<vmem>>, vector<16xi32>,
          %shift_left3A_318 = arith.constant 16 : i32
          %shift_left3A_319 = vector.broadcast %shift_left3A_318 : i32 to vector<16xi32>
          %shift_left3A_320 = arith.shli %get3A_317, %shift_left3A_319 : vector<16xi32>
          %bitcast3A_321 = vector.bitcast %shift_left3A_320 : vector<16xi32> to vector<16xf32>
          %and3A_322 = arith.constant -65536 : i32
          %and3A_323 = vector.broadcast %and3A_322 : i32 to vector<16xi32>
          %and3A_324 = arith.andi %get3A_317, %and3A_323 : vector<16xi32>
          %bitcast3A_325 = vector.bitcast %and3A_324 : vector<16xi32> to vector<16xf32>
          %swap3A_326 = arith.index_cast %add3A_301 : i32 to index
          %swap3A_327 = arith.constant 16 : index
          %swap3A_328 = tpu.vector_load %arg13[%swap3A_326, %swap3A_327] {strides = array<i32>} : memref<128x128xf32, #tpu.memory_space<vmem>>, vector<16xf32>,
          tpu.vector_store %arg13[%swap3A_326, %swap3A_327], %bitcast3A_321 {strides = array<i32>} : memref<128x128xf32, #tpu.memory_space<vmem>>, vector<16xf32>,
          %swap3A_329 = arith.index_cast %add3A_301 : i32 to index
          %swap3A_330 = arith.constant 80 : index
          %swap3A_331 = tpu.vector_load %arg13[%swap3A_329, %swap3A_330] {strides = array<i32>} : memref<128x128xf32, #tpu.memory_space<vmem>>, vector<16xf32>,
          tpu.vector_store %arg13[%swap3A_329, %swap3A_330], %bitcast3A_325 {strides = array<i32>} : memref<128x128xf32, #tpu.memory_space<vmem>>, vector<16xf32>,
          %get3A_332 = arith.index_cast %add3A_301 : i32 to index
          %get3A_333 = arith.constant 32 : index
          %get3A_334 = tpu.vector_load %arg9[%get3A_332, %get3A_333] {strides = array<i32>} : memref<128x64xi32, #tpu.memory_space<vmem>>, vector<16xi32>,
          %shift_left3A_335 = arith.constant 16 : i32
          %shift_left3A_336 = vector.broadcast %shift_left3A_335 : i32 to vector<16xi32>
          %shift_left3A_337 = arith.shli %get3A_334, %shift_left3A_336 : vector<16xi32>
          %bitcast3A_338 = vector.bitcast %shift_left3A_337 : vector<16xi32> to vector<16xf32>
          %and3A_339 = arith.constant -65536 : i32
          %and3A_340 = vector.broadcast %and3A_339 : i32 to vector<16xi32>
          %and3A_341 = arith.andi %get3A_334, %and3A_340 : vector<16xi32>
          %bitcast3A_342 = vector.bitcast %and3A_341 : vector<16xi32> to vector<16xf32>
          %swap3A_343 = arith.index_cast %add3A_301 : i32 to index
          %swap3A_344 = arith.constant 32 : index
          %swap3A_345 = tpu.vector_load %arg13[%swap3A_343, %swap3A_344] {strides = array<i32>} : memref<128x128xf32, #tpu.memory_space<vmem>>, vector<16xf32>,
          tpu.vector_store %arg13[%swap3A_343, %swap3A_344], %bitcast3A_338 {strides = array<i32>} : memref<128x128xf32, #tpu.memory_space<vmem>>, vector<16xf32>,
          %swap3A_346 = arith.index_cast %add3A_301 : i32 to index
          %swap3A_347 = arith.constant 96 : index
          %swap3A_348 = tpu.vector_load %arg13[%swap3A_346, %swap3A_347] {strides = array<i32>} : memref<128x128xf32, #tpu.memory_space<vmem>>, vector<16xf32>,
          tpu.vector_store %arg13[%swap3A_346, %swap3A_347], %bitcast3A_342 {strides = array<i32>} : memref<128x128xf32, #tpu.memory_space<vmem>>, vector<16xf32>,
          %get3A_349 = arith.index_cast %add3A_301 : i32 to index
          %get3A_350 = arith.constant 48 : index
          %get3A_351 = tpu.vector_load %arg9[%get3A_349, %get3A_350] {strides = array<i32>} : memref<128x64xi32, #tpu.memory_space<vmem>>, vector<16xi32>,
          %shift_left3A_352 = arith.constant 16 : i32
          %shift_left3A_353 = vector.broadcast %shift_left3A_352 : i32 to vector<16xi32>
          %shift_left3A_354 = arith.shli %get3A_351, %shift_left3A_353 : vector<16xi32>
          %bitcast3A_355 = vector.bitcast %shift_left3A_354 : vector<16xi32> to vector<16xf32>
          %and3A_356 = arith.constant -65536 : i32
          %and3A_357 = vector.broadcast %and3A_356 : i32 to vector<16xi32>
          %and3A_358 = arith.andi %get3A_351, %and3A_357 : vector<16xi32>
          %bitcast3A_359 = vector.bitcast %and3A_358 : vector<16xi32> to vector<16xf32>
          %swap3A_360 = arith.index_cast %add3A_301 : i32 to index
          %swap3A_361 = arith.constant 48 : index
          %swap3A_362 = tpu.vector_load %arg13[%swap3A_360, %swap3A_361] {strides = array<i32>} : memref<128x128xf32, #tpu.memory_space<vmem>>, vector<16xf32>,
          tpu.vector_store %arg13[%swap3A_360, %swap3A_361], %bitcast3A_355 {strides = array<i32>} : memref<128x128xf32, #tpu.memory_space<vmem>>, vector<16xf32>,
          %swap3A_363 = arith.index_cast %add3A_301 : i32 to index
          %swap3A_364 = arith.constant 112 : index
          %swap3A_365 = tpu.vector_load %arg13[%swap3A_363, %swap3A_364] {strides = array<i32>} : memref<128x128xf32, #tpu.memory_space<vmem>>, vector<16xf32>,
          tpu.vector_store %arg13[%swap3A_363, %swap3A_364], %bitcast3A_359 {strides = array<i32>} : memref<128x128xf32, #tpu.memory_space<vmem>>, vector<16xf32>,
        }
        %scan3A_169 = arith.constant 128 : i32
        %dma_start3A_170 = arith.constant 0 : i32
        %dma_start3A_171 = arith.constant 0 : i32
        %dma_start3A_172 = tpu.memref_slice %arg8[%select_n3A_79, %dma_start3A_170, %dma_start3A_171] : memref<2x16x128xi32, #tpu.memory_space<vmem>> -> memref<1x16x128xi32, #tpu.memory_space<vmem>>
        %dma_start3A_173 = tpu.memref_squeeze %dma_start3A_172 : memref<1x16x128xi32, #tpu.memory_space<vmem>> -> memref<16x128xi32, #tpu.memory_space<vmem>>
        %dma_start3A_174 = arith.constant 0 : i32
        %dma_start3A_175 = tpu.memref_slice %dma_start3A_173[%add3A_143, %dma_start3A_174] : memref<16x128xi32, #tpu.memory_space<vmem>> -> memref<1x128xi32, #tpu.memory_space<vmem>>
        %dma_start3A_176 = tpu.memref_squeeze %dma_start3A_175 : memref<1x128xi32, #tpu.memory_space<vmem>> -> memref<128xi32, #tpu.memory_space<vmem>>
        %dma_start3A_177 = arith.constant 0 : i32
        %dma_start3A_178 = arith.constant 0 : i32
        %dma_start3A_179 = tpu.memref_slice %arg6[%dma_start3A_177, %dma_start3A_178] : memref<5120x128xf32, #tpu.memory_space<vmem_shared>> -> memref<5120x128xf32, #tpu.memory_space<vmem_shared>>
        tpu.enqueue_indirect_dma source(%arg13 : memref<128x128xf32, #tpu.memory_space<vmem>>) target(%dma_start3A_179 : memref<5120x128xf32, #tpu.memory_space<vmem_shared>>) offsets(%dma_start3A_176 : memref<128xi32, #tpu.memory_space<vmem>>) semaphore(%arg19 : memref<!tpu.dma_semaphore, #tpu.memory_space<semaphore_mem>>) {add = true}
        %add3A_180 = arith.constant 1 : i32
        %add3A_181 = arith.addi %add3A_141, %add3A_180 : i32
        %dma_wait3A_182 = arith.constant 0 : i32
        %dma_wait3A_183 = arith.constant 0 : i32
        %dma_wait3A_184 = tpu.memref_slice %arg7[%select_n3A_79, %dma_wait3A_182, %dma_wait3A_183] : memref<2x16x128xi32, #tpu.memory_space<vmem>> -> memref<1x16x128xi32, #tpu.memory_space<vmem>>
        %dma_wait3A_185 = tpu.memref_squeeze %dma_wait3A_184 : memref<1x16x128xi32, #tpu.memory_space<vmem>> -> memref<16x128xi32, #tpu.memory_space<vmem>>
        %dma_wait3A_186 = arith.constant 0 : i32
        %dma_wait3A_187 = tpu.memref_slice %dma_wait3A_185[%add3A_181, %dma_wait3A_186] : memref<16x128xi32, #tpu.memory_space<vmem>> -> memref<1x128xi32, #tpu.memory_space<vmem>>
        %dma_wait3A_188 = tpu.memref_squeeze %dma_wait3A_187 : memref<1x128xi32, #tpu.memory_space<vmem>> -> memref<128xi32, #tpu.memory_space<vmem>>
        %dma_wait3A_189 = arith.constant 0 : i32
        %dma_wait3A_190 = arith.constant 0 : i32
        %dma_wait3A_191 = tpu.memref_slice %arg2[%dma_wait3A_189, %dma_wait3A_190] : memref<5008x64xi32, #tpu.memory_space<hbm>> -> memref<5008x64xi32, #tpu.memory_space<hbm>>
        tpu.wait_indirect_dma semaphore(%arg16 : memref<!tpu.dma_semaphore, #tpu.memory_space<semaphore_mem>>) src(%dma_wait3A_191 : memref<5008x64xi32, #tpu.memory_space<hbm>>) dst(%arg10 : memref<128x64xi32, #tpu.memory_space<vmem>>)
        %add3A_192 = arith.constant 2 : i32
        %add3A_193 = arith.addi %add3A_181, %add3A_192 : i32
        %lt3A_194 = arith.constant 16 : i32
        %lt3A_195 = arith.cmpi slt, %add3A_193, %lt3A_194 : i32
        %convert_element_type3A_196 = arith.extui %lt3A_195 : i1 to i32
        %cond3A_197 = arith.constant 0 : i32
        %cond3A_198 = arith.cmpi ne, %convert_element_type3A_196, %cond3A_197 : i32
        scf.if %cond3A_198 {
          %add3A_297 = arith.constant 2 : i32
          %add3A_298 = arith.addi %add3A_181, %add3A_297 : i32
          %dma_start3A_299 = arith.constant 0 : i32
          %dma_start3A_300 = arith.constant 0 : i32
          %dma_start3A_301 = tpu.memref_slice %arg7[%select_n3A_79, %dma_start3A_299, %dma_start3A_300] : memref<2x16x128xi32, #tpu.memory_space<vmem>> -> memref<1x16x128xi32, #tpu.memory_space<vmem>>
          %dma_start3A_302 = tpu.memref_squeeze %dma_start3A_301 : memref<1x16x128xi32, #tpu.memory_space<vmem>> -> memref<16x128xi32, #tpu.memory_space<vmem>>
          %dma_start3A_303 = arith.constant 0 : i32
          %dma_start3A_304 = tpu.memref_slice %dma_start3A_302[%add3A_298, %dma_start3A_303] : memref<16x128xi32, #tpu.memory_space<vmem>> -> memref<1x128xi32, #tpu.memory_space<vmem>>
          %dma_start3A_305 = tpu.memref_squeeze %dma_start3A_304 : memref<1x128xi32, #tpu.memory_space<vmem>> -> memref<128xi32, #tpu.memory_space<vmem>>
          %dma_start3A_306 = arith.constant 0 : i32
          %dma_start3A_307 = arith.constant 0 : i32
          %dma_start3A_308 = tpu.memref_slice %arg2[%dma_start3A_306, %dma_start3A_307] : memref<5008x64xi32, #tpu.memory_space<hbm>> -> memref<5008x64xi32, #tpu.memory_space<hbm>>
          tpu.enqueue_indirect_dma source(%dma_start3A_308 : memref<5008x64xi32, #tpu.memory_space<hbm>>) target(%arg12 : memref<128x64xi32, #tpu.memory_space<vmem>>) offsets(%dma_start3A_305 : memref<128xi32, #tpu.memory_space<vmem>>) semaphore(%arg18 : memref<!tpu.dma_semaphore, #tpu.memory_space<semaphore_mem>>)
        } else {
        }
        %ge3A_199 = arith.constant 2 : i32
        %ge3A_200 = arith.cmpi sge, %add3A_181, %ge3A_199 : i32
        %convert_element_type3A_201 = arith.extui %ge3A_200 : i1 to i32
        %cond3A_202 = arith.constant 0 : i32
        %cond3A_203 = arith.cmpi ne, %convert_element_type3A_201, %cond3A_202 : i32
        scf.if %cond3A_203 {
          %sub3A = arith.constant 2 : i32
          %sub3A_297 = arith.subi %add3A_181, %sub3A : i32
          %dma_wait3A_298 = arith.constant 0 : i32
          %dma_wait3A_299 = arith.constant 0 : i32
          %dma_wait3A_300 = tpu.memref_slice %arg8[%select_n3A_79, %dma_wait3A_298, %dma_wait3A_299] : memref<2x16x128xi32, #tpu.memory_space<vmem>> -> memref<1x16x128xi32, #tpu.memory_space<vmem>>
          %dma_wait3A_301 = tpu.memref_squeeze %dma_wait3A_300 : memref<1x16x128xi32, #tpu.memory_space<vmem>> -> memref<16x128xi32, #tpu.memory_space<vmem>>
          %dma_wait3A_302 = arith.constant 0 : i32
          %dma_wait3A_303 = tpu.memref_slice %dma_wait3A_301[%sub3A_297, %dma_wait3A_302] : memref<16x128xi32, #tpu.memory_space<vmem>> -> memref<1x128xi32, #tpu.memory_space<vmem>>
          %dma_wait3A_304 = tpu.memref_squeeze %dma_wait3A_303 : memref<1x128xi32, #tpu.memory_space<vmem>> -> memref<128xi32, #tpu.memory_space<vmem>>
          %dma_wait3A_305 = arith.constant 0 : i32
          %dma_wait3A_306 = arith.constant 0 : i32
          %dma_wait3A_307 = tpu.memref_slice %arg6[%dma_wait3A_305, %dma_wait3A_306] : memref<5120x128xf32, #tpu.memory_space<vmem_shared>> -> memref<5120x128xf32, #tpu.memory_space<vmem_shared>>
          tpu.wait_indirect_dma semaphore(%arg20 : memref<!tpu.dma_semaphore, #tpu.memory_space<semaphore_mem>>) src(%arg14 : memref<128x128xf32, #tpu.memory_space<vmem>>) dst(%dma_wait3A_307 : memref<5120x128xf32, #tpu.memory_space<vmem_shared>>)
        } else {
        }
        %scan3A_204 = arith.constant 0 : i32
        %scan3A_205 = arith.constant 128 : i32
        %scan3A_206 = arith.addi %scan3A_204, %scan3A_205 : i32
        %scan3A_207 = arith.constant 1 : i32
        scf.for %scan3A_297 = %scan3A_204 to %scan3A_206 step %scan3A_207  : i32 {
          %mul3A_298 = arith.constant 1 : i32
          %mul3A_299 = arith.muli %scan3A_297, %mul3A_298 : i32
          %add3A_300 = arith.constant 0 : i32
          %add3A_301 = arith.addi %add3A_300, %mul3A_299 : i32
          %get3A = arith.index_cast %add3A_301 : i32 to index
          %get3A_302 = arith.constant 0 : index
          %get3A_303 = tpu.vector_load %arg10[%get3A, %get3A_302] {strides = array<i32>} : memref<128x64xi32, #tpu.memory_space<vmem>>, vector<16xi32>,
          %shift_left3A = arith.constant 16 : i32
          %shift_left3A_304 = vector.broadcast %shift_left3A : i32 to vector<16xi32>
          %shift_left3A_305 = arith.shli %get3A_303, %shift_left3A_304 : vector<16xi32>
          %bitcast3A = vector.bitcast %shift_left3A_305 : vector<16xi32> to vector<16xf32>
          %and3A_306 = arith.constant -65536 : i32
          %and3A_307 = vector.broadcast %and3A_306 : i32 to vector<16xi32>
          %and3A_308 = arith.andi %get3A_303, %and3A_307 : vector<16xi32>
          %bitcast3A_309 = vector.bitcast %and3A_308 : vector<16xi32> to vector<16xf32>
          %swap3A = arith.index_cast %add3A_301 : i32 to index
          %swap3A_310 = arith.constant 0 : index
          %swap3A_311 = tpu.vector_load %arg14[%swap3A, %swap3A_310] {strides = array<i32>} : memref<128x128xf32, #tpu.memory_space<vmem>>, vector<16xf32>,
          tpu.vector_store %arg14[%swap3A, %swap3A_310], %bitcast3A {strides = array<i32>} : memref<128x128xf32, #tpu.memory_space<vmem>>, vector<16xf32>,
          %swap3A_312 = arith.index_cast %add3A_301 : i32 to index
          %swap3A_313 = arith.constant 64 : index
          %swap3A_314 = tpu.vector_load %arg14[%swap3A_312, %swap3A_313] {strides = array<i32>} : memref<128x128xf32, #tpu.memory_space<vmem>>, vector<16xf32>,
          tpu.vector_store %arg14[%swap3A_312, %swap3A_313], %bitcast3A_309 {strides = array<i32>} : memref<128x128xf32, #tpu.memory_space<vmem>>, vector<16xf32>,
          %get3A_315 = arith.index_cast %add3A_301 : i32 to index
          %get3A_316 = arith.constant 16 : index
          %get3A_317 = tpu.vector_load %arg10[%get3A_315, %get3A_316] {strides = array<i32>} : memref<128x64xi32, #tpu.memory_space<vmem>>, vector<16xi32>,
          %shift_left3A_318 = arith.constant 16 : i32
          %shift_left3A_319 = vector.broadcast %shift_left3A_318 : i32 to vector<16xi32>
          %shift_left3A_320 = arith.shli %get3A_317, %shift_left3A_319 : vector<16xi32>
          %bitcast3A_321 = vector.bitcast %shift_left3A_320 : vector<16xi32> to vector<16xf32>
          %and3A_322 = arith.constant -65536 : i32
          %and3A_323 = vector.broadcast %and3A_322 : i32 to vector<16xi32>
          %and3A_324 = arith.andi %get3A_317, %and3A_323 : vector<16xi32>
          %bitcast3A_325 = vector.bitcast %and3A_324 : vector<16xi32> to vector<16xf32>
          %swap3A_326 = arith.index_cast %add3A_301 : i32 to index
          %swap3A_327 = arith.constant 16 : index
          %swap3A_328 = tpu.vector_load %arg14[%swap3A_326, %swap3A_327] {strides = array<i32>} : memref<128x128xf32, #tpu.memory_space<vmem>>, vector<16xf32>,
          tpu.vector_store %arg14[%swap3A_326, %swap3A_327], %bitcast3A_321 {strides = array<i32>} : memref<128x128xf32, #tpu.memory_space<vmem>>, vector<16xf32>,
          %swap3A_329 = arith.index_cast %add3A_301 : i32 to index
          %swap3A_330 = arith.constant 80 : index
          %swap3A_331 = tpu.vector_load %arg14[%swap3A_329, %swap3A_330] {strides = array<i32>} : memref<128x128xf32, #tpu.memory_space<vmem>>, vector<16xf32>,
          tpu.vector_store %arg14[%swap3A_329, %swap3A_330], %bitcast3A_325 {strides = array<i32>} : memref<128x128xf32, #tpu.memory_space<vmem>>, vector<16xf32>,
          %get3A_332 = arith.index_cast %add3A_301 : i32 to index
          %get3A_333 = arith.constant 32 : index
          %get3A_334 = tpu.vector_load %arg10[%get3A_332, %get3A_333] {strides = array<i32>} : memref<128x64xi32, #tpu.memory_space<vmem>>, vector<16xi32>,
          %shift_left3A_335 = arith.constant 16 : i32
          %shift_left3A_336 = vector.broadcast %shift_left3A_335 : i32 to vector<16xi32>
          %shift_left3A_337 = arith.shli %get3A_334, %shift_left3A_336 : vector<16xi32>
          %bitcast3A_338 = vector.bitcast %shift_left3A_337 : vector<16xi32> to vector<16xf32>
          %and3A_339 = arith.constant -65536 : i32
          %and3A_340 = vector.broadcast %and3A_339 : i32 to vector<16xi32>
          %and3A_341 = arith.andi %get3A_334, %and3A_340 : vector<16xi32>
          %bitcast3A_342 = vector.bitcast %and3A_341 : vector<16xi32> to vector<16xf32>
          %swap3A_343 = arith.index_cast %add3A_301 : i32 to index
          %swap3A_344 = arith.constant 32 : index
          %swap3A_345 = tpu.vector_load %arg14[%swap3A_343, %swap3A_344] {strides = array<i32>} : memref<128x128xf32, #tpu.memory_space<vmem>>, vector<16xf32>,
          tpu.vector_store %arg14[%swap3A_343, %swap3A_344], %bitcast3A_338 {strides = array<i32>} : memref<128x128xf32, #tpu.memory_space<vmem>>, vector<16xf32>,
          %swap3A_346 = arith.index_cast %add3A_301 : i32 to index
          %swap3A_347 = arith.constant 96 : index
          %swap3A_348 = tpu.vector_load %arg14[%swap3A_346, %swap3A_347] {strides = array<i32>} : memref<128x128xf32, #tpu.memory_space<vmem>>, vector<16xf32>,
          tpu.vector_store %arg14[%swap3A_346, %swap3A_347], %bitcast3A_342 {strides = array<i32>} : memref<128x128xf32, #tpu.memory_space<vmem>>, vector<16xf32>,
          %get3A_349 = arith.index_cast %add3A_301 : i32 to index
          %get3A_350 = arith.constant 48 : index
          %get3A_351 = tpu.vector_load %arg10[%get3A_349, %get3A_350] {strides = array<i32>} : memref<128x64xi32, #tpu.memory_space<vmem>>, vector<16xi32>,
          %shift_left3A_352 = arith.constant 16 : i32
          %shift_left3A_353 = vector.broadcast %shift_left3A_352 : i32 to vector<16xi32>
          %shift_left3A_354 = arith.shli %get3A_351, %shift_left3A_353 : vector<16xi32>
          %bitcast3A_355 = vector.bitcast %shift_left3A_354 : vector<16xi32> to vector<16xf32>
          %and3A_356 = arith.constant -65536 : i32
          %and3A_357 = vector.broadcast %and3A_356 : i32 to vector<16xi32>
          %and3A_358 = arith.andi %get3A_351, %and3A_357 : vector<16xi32>
          %bitcast3A_359 = vector.bitcast %and3A_358 : vector<16xi32> to vector<16xf32>
          %swap3A_360 = arith.index_cast %add3A_301 : i32 to index
          %swap3A_361 = arith.constant 48 : index
          %swap3A_362 = tpu.vector_load %arg14[%swap3A_360, %swap3A_361] {strides = array<i32>} : memref<128x128xf32, #tpu.memory_space<vmem>>, vector<16xf32>,
          tpu.vector_store %arg14[%swap3A_360, %swap3A_361], %bitcast3A_355 {strides = array<i32>} : memref<128x128xf32, #tpu.memory_space<vmem>>, vector<16xf32>,
          %swap3A_363 = arith.index_cast %add3A_301 : i32 to index
          %swap3A_364 = arith.constant 112 : index
          %swap3A_365 = tpu.vector_load %arg14[%swap3A_363, %swap3A_364] {strides = array<i32>} : memref<128x128xf32, #tpu.memory_space<vmem>>, vector<16xf32>,
          tpu.vector_store %arg14[%swap3A_363, %swap3A_364], %bitcast3A_359 {strides = array<i32>} : memref<128x128xf32, #tpu.memory_space<vmem>>, vector<16xf32>,
        }
        %scan3A_208 = arith.constant 128 : i32
        %dma_start3A_209 = arith.constant 0 : i32
        %dma_start3A_210 = arith.constant 0 : i32
        %dma_start3A_211 = tpu.memref_slice %arg8[%select_n3A_79, %dma_start3A_209, %dma_start3A_210] : memref<2x16x128xi32, #tpu.memory_space<vmem>> -> memref<1x16x128xi32, #tpu.memory_space<vmem>>
        %dma_start3A_212 = tpu.memref_squeeze %dma_start3A_211 : memref<1x16x128xi32, #tpu.memory_space<vmem>> -> memref<16x128xi32, #tpu.memory_space<vmem>>
        %dma_start3A_213 = arith.constant 0 : i32
        %dma_start3A_214 = tpu.memref_slice %dma_start3A_212[%add3A_181, %dma_start3A_213] : memref<16x128xi32, #tpu.memory_space<vmem>> -> memref<1x128xi32, #tpu.memory_space<vmem>>
        %dma_start3A_215 = tpu.memref_squeeze %dma_start3A_214 : memref<1x128xi32, #tpu.memory_space<vmem>> -> memref<128xi32, #tpu.memory_space<vmem>>
        %dma_start3A_216 = arith.constant 0 : i32
        %dma_start3A_217 = arith.constant 0 : i32
        %dma_start3A_218 = tpu.memref_slice %arg6[%dma_start3A_216, %dma_start3A_217] : memref<5120x128xf32, #tpu.memory_space<vmem_shared>> -> memref<5120x128xf32, #tpu.memory_space<vmem_shared>>
        tpu.enqueue_indirect_dma source(%arg14 : memref<128x128xf32, #tpu.memory_space<vmem>>) target(%dma_start3A_218 : memref<5120x128xf32, #tpu.memory_space<vmem_shared>>) offsets(%dma_start3A_215 : memref<128xi32, #tpu.memory_space<vmem>>) semaphore(%arg20 : memref<!tpu.dma_semaphore, #tpu.memory_space<semaphore_mem>>) {add = true}
        %add3A_219 = arith.constant 2 : i32
        %add3A_220 = arith.addi %add3A_141, %add3A_219 : i32
        %dma_wait3A_221 = arith.constant 0 : i32
        %dma_wait3A_222 = arith.constant 0 : i32
        %dma_wait3A_223 = tpu.memref_slice %arg7[%select_n3A_79, %dma_wait3A_221, %dma_wait3A_222] : memref<2x16x128xi32, #tpu.memory_space<vmem>> -> memref<1x16x128xi32, #tpu.memory_space<vmem>>
        %dma_wait3A_224 = tpu.memref_squeeze %dma_wait3A_223 : memref<1x16x128xi32, #tpu.memory_space<vmem>> -> memref<16x128xi32, #tpu.memory_space<vmem>>
        %dma_wait3A_225 = arith.constant 0 : i32
        %dma_wait3A_226 = tpu.memref_slice %dma_wait3A_224[%add3A_220, %dma_wait3A_225] : memref<16x128xi32, #tpu.memory_space<vmem>> -> memref<1x128xi32, #tpu.memory_space<vmem>>
        %dma_wait3A_227 = tpu.memref_squeeze %dma_wait3A_226 : memref<1x128xi32, #tpu.memory_space<vmem>> -> memref<128xi32, #tpu.memory_space<vmem>>
        %dma_wait3A_228 = arith.constant 0 : i32
        %dma_wait3A_229 = arith.constant 0 : i32
        %dma_wait3A_230 = tpu.memref_slice %arg2[%dma_wait3A_228, %dma_wait3A_229] : memref<5008x64xi32, #tpu.memory_space<hbm>> -> memref<5008x64xi32, #tpu.memory_space<hbm>>
        tpu.wait_indirect_dma semaphore(%arg17 : memref<!tpu.dma_semaphore, #tpu.memory_space<semaphore_mem>>) src(%dma_wait3A_230 : memref<5008x64xi32, #tpu.memory_space<hbm>>) dst(%arg11 : memref<128x64xi32, #tpu.memory_space<vmem>>)
        %add3A_231 = arith.constant 2 : i32
        %add3A_232 = arith.addi %add3A_220, %add3A_231 : i32
        %lt3A_233 = arith.constant 16 : i32
        %lt3A_234 = arith.cmpi slt, %add3A_232, %lt3A_233 : i32
        %convert_element_type3A_235 = arith.extui %lt3A_234 : i1 to i32
        %cond3A_236 = arith.constant 0 : i32
        %cond3A_237 = arith.cmpi ne, %convert_element_type3A_235, %cond3A_236 : i32
        scf.if %cond3A_237 {
          %add3A_297 = arith.constant 2 : i32
          %add3A_298 = arith.addi %add3A_220, %add3A_297 : i32
          %dma_start3A_299 = arith.constant 0 : i32
          %dma_start3A_300 = arith.constant 0 : i32
          %dma_start3A_301 = tpu.memref_slice %arg7[%select_n3A_79, %dma_start3A_299, %dma_start3A_300] : memref<2x16x128xi32, #tpu.memory_space<vmem>> -> memref<1x16x128xi32, #tpu.memory_space<vmem>>
          %dma_start3A_302 = tpu.memref_squeeze %dma_start3A_301 : memref<1x16x128xi32, #tpu.memory_space<vmem>> -> memref<16x128xi32, #tpu.memory_space<vmem>>
          %dma_start3A_303 = arith.constant 0 : i32
          %dma_start3A_304 = tpu.memref_slice %dma_start3A_302[%add3A_298, %dma_start3A_303] : memref<16x128xi32, #tpu.memory_space<vmem>> -> memref<1x128xi32, #tpu.memory_space<vmem>>
          %dma_start3A_305 = tpu.memref_squeeze %dma_start3A_304 : memref<1x128xi32, #tpu.memory_space<vmem>> -> memref<128xi32, #tpu.memory_space<vmem>>
          %dma_start3A_306 = arith.constant 0 : i32
          %dma_start3A_307 = arith.constant 0 : i32
          %dma_start3A_308 = tpu.memref_slice %arg2[%dma_start3A_306, %dma_start3A_307] : memref<5008x64xi32, #tpu.memory_space<hbm>> -> memref<5008x64xi32, #tpu.memory_space<hbm>>
          tpu.enqueue_indirect_dma source(%dma_start3A_308 : memref<5008x64xi32, #tpu.memory_space<hbm>>) target(%arg9 : memref<128x64xi32, #tpu.memory_space<vmem>>) offsets(%dma_start3A_305 : memref<128xi32, #tpu.memory_space<vmem>>) semaphore(%arg15 : memref<!tpu.dma_semaphore, #tpu.memory_space<semaphore_mem>>)
        } else {
        }
        %ge3A_238 = arith.constant 2 : i32
        %ge3A_239 = arith.cmpi sge, %add3A_220, %ge3A_238 : i32
        %convert_element_type3A_240 = arith.extui %ge3A_239 : i1 to i32
        %cond3A_241 = arith.constant 0 : i32
        %cond3A_242 = arith.cmpi ne, %convert_element_type3A_240, %cond3A_241 : i32
        scf.if %cond3A_242 {
          %sub3A = arith.constant 2 : i32
          %sub3A_297 = arith.subi %add3A_220, %sub3A : i32
          %dma_wait3A_298 = arith.constant 0 : i32
          %dma_wait3A_299 = arith.constant 0 : i32
          %dma_wait3A_300 = tpu.memref_slice %arg8[%select_n3A_79, %dma_wait3A_298, %dma_wait3A_299] : memref<2x16x128xi32, #tpu.memory_space<vmem>> -> memref<1x16x128xi32, #tpu.memory_space<vmem>>
          %dma_wait3A_301 = tpu.memref_squeeze %dma_wait3A_300 : memref<1x16x128xi32, #tpu.memory_space<vmem>> -> memref<16x128xi32, #tpu.memory_space<vmem>>
          %dma_wait3A_302 = arith.constant 0 : i32
          %dma_wait3A_303 = tpu.memref_slice %dma_wait3A_301[%sub3A_297, %dma_wait3A_302] : memref<16x128xi32, #tpu.memory_space<vmem>> -> memref<1x128xi32, #tpu.memory_space<vmem>>
          %dma_wait3A_304 = tpu.memref_squeeze %dma_wait3A_303 : memref<1x128xi32, #tpu.memory_space<vmem>> -> memref<128xi32, #tpu.memory_space<vmem>>
          %dma_wait3A_305 = arith.constant 0 : i32
          %dma_wait3A_306 = arith.constant 0 : i32
          %dma_wait3A_307 = tpu.memref_slice %arg6[%dma_wait3A_305, %dma_wait3A_306] : memref<5120x128xf32, #tpu.memory_space<vmem_shared>> -> memref<5120x128xf32, #tpu.memory_space<vmem_shared>>
          tpu.wait_indirect_dma semaphore(%arg19 : memref<!tpu.dma_semaphore, #tpu.memory_space<semaphore_mem>>) src(%arg13 : memref<128x128xf32, #tpu.memory_space<vmem>>) dst(%dma_wait3A_307 : memref<5120x128xf32, #tpu.memory_space<vmem_shared>>)
        } else {
        }
        %scan3A_243 = arith.constant 0 : i32
        %scan3A_244 = arith.constant 128 : i32
        %scan3A_245 = arith.addi %scan3A_243, %scan3A_244 : i32
        %scan3A_246 = arith.constant 1 : i32
        scf.for %scan3A_297 = %scan3A_243 to %scan3A_245 step %scan3A_246  : i32 {
          %mul3A_298 = arith.constant 1 : i32
          %mul3A_299 = arith.muli %scan3A_297, %mul3A_298 : i32
          %add3A_300 = arith.constant 0 : i32
          %add3A_301 = arith.addi %add3A_300, %mul3A_299 : i32
          %get3A = arith.index_cast %add3A_301 : i32 to index
          %get3A_302 = arith.constant 0 : index
          %get3A_303 = tpu.vector_load %arg11[%get3A, %get3A_302] {strides = array<i32>} : memref<128x64xi32, #tpu.memory_space<vmem>>, vector<16xi32>,
          %shift_left3A = arith.constant 16 : i32
          %shift_left3A_304 = vector.broadcast %shift_left3A : i32 to vector<16xi32>
          %shift_left3A_305 = arith.shli %get3A_303, %shift_left3A_304 : vector<16xi32>
          %bitcast3A = vector.bitcast %shift_left3A_305 : vector<16xi32> to vector<16xf32>
          %and3A_306 = arith.constant -65536 : i32
          %and3A_307 = vector.broadcast %and3A_306 : i32 to vector<16xi32>
          %and3A_308 = arith.andi %get3A_303, %and3A_307 : vector<16xi32>
          %bitcast3A_309 = vector.bitcast %and3A_308 : vector<16xi32> to vector<16xf32>
          %swap3A = arith.index_cast %add3A_301 : i32 to index
          %swap3A_310 = arith.constant 0 : index
          %swap3A_311 = tpu.vector_load %arg13[%swap3A, %swap3A_310] {strides = array<i32>} : memref<128x128xf32, #tpu.memory_space<vmem>>, vector<16xf32>,
          tpu.vector_store %arg13[%swap3A, %swap3A_310], %bitcast3A {strides = array<i32>} : memref<128x128xf32, #tpu.memory_space<vmem>>, vector<16xf32>,
          %swap3A_312 = arith.index_cast %add3A_301 : i32 to index
          %swap3A_313 = arith.constant 64 : index
          %swap3A_314 = tpu.vector_load %arg13[%swap3A_312, %swap3A_313] {strides = array<i32>} : memref<128x128xf32, #tpu.memory_space<vmem>>, vector<16xf32>,
          tpu.vector_store %arg13[%swap3A_312, %swap3A_313], %bitcast3A_309 {strides = array<i32>} : memref<128x128xf32, #tpu.memory_space<vmem>>, vector<16xf32>,
          %get3A_315 = arith.index_cast %add3A_301 : i32 to index
          %get3A_316 = arith.constant 16 : index
          %get3A_317 = tpu.vector_load %arg11[%get3A_315, %get3A_316] {strides = array<i32>} : memref<128x64xi32, #tpu.memory_space<vmem>>, vector<16xi32>,
          %shift_left3A_318 = arith.constant 16 : i32
          %shift_left3A_319 = vector.broadcast %shift_left3A_318 : i32 to vector<16xi32>
          %shift_left3A_320 = arith.shli %get3A_317, %shift_left3A_319 : vector<16xi32>
          %bitcast3A_321 = vector.bitcast %shift_left3A_320 : vector<16xi32> to vector<16xf32>
          %and3A_322 = arith.constant -65536 : i32
          %and3A_323 = vector.broadcast %and3A_322 : i32 to vector<16xi32>
          %and3A_324 = arith.andi %get3A_317, %and3A_323 : vector<16xi32>
          %bitcast3A_325 = vector.bitcast %and3A_324 : vector<16xi32> to vector<16xf32>
          %swap3A_326 = arith.index_cast %add3A_301 : i32 to index
          %swap3A_327 = arith.constant 16 : index
          %swap3A_328 = tpu.vector_load %arg13[%swap3A_326, %swap3A_327] {strides = array<i32>} : memref<128x128xf32, #tpu.memory_space<vmem>>, vector<16xf32>,
          tpu.vector_store %arg13[%swap3A_326, %swap3A_327], %bitcast3A_321 {strides = array<i32>} : memref<128x128xf32, #tpu.memory_space<vmem>>, vector<16xf32>,
          %swap3A_329 = arith.index_cast %add3A_301 : i32 to index
          %swap3A_330 = arith.constant 80 : index
          %swap3A_331 = tpu.vector_load %arg13[%swap3A_329, %swap3A_330] {strides = array<i32>} : memref<128x128xf32, #tpu.memory_space<vmem>>, vector<16xf32>,
          tpu.vector_store %arg13[%swap3A_329, %swap3A_330], %bitcast3A_325 {strides = array<i32>} : memref<128x128xf32, #tpu.memory_space<vmem>>, vector<16xf32>,
          %get3A_332 = arith.index_cast %add3A_301 : i32 to index
          %get3A_333 = arith.constant 32 : index
          %get3A_334 = tpu.vector_load %arg11[%get3A_332, %get3A_333] {strides = array<i32>} : memref<128x64xi32, #tpu.memory_space<vmem>>, vector<16xi32>,
          %shift_left3A_335 = arith.constant 16 : i32
          %shift_left3A_336 = vector.broadcast %shift_left3A_335 : i32 to vector<16xi32>
          %shift_left3A_337 = arith.shli %get3A_334, %shift_left3A_336 : vector<16xi32>
          %bitcast3A_338 = vector.bitcast %shift_left3A_337 : vector<16xi32> to vector<16xf32>
          %and3A_339 = arith.constant -65536 : i32
          %and3A_340 = vector.broadcast %and3A_339 : i32 to vector<16xi32>
          %and3A_341 = arith.andi %get3A_334, %and3A_340 : vector<16xi32>
          %bitcast3A_342 = vector.bitcast %and3A_341 : vector<16xi32> to vector<16xf32>
          %swap3A_343 = arith.index_cast %add3A_301 : i32 to index
          %swap3A_344 = arith.constant 32 : index
          %swap3A_345 = tpu.vector_load %arg13[%swap3A_343, %swap3A_344] {strides = array<i32>} : memref<128x128xf32, #tpu.memory_space<vmem>>, vector<16xf32>,
          tpu.vector_store %arg13[%swap3A_343, %swap3A_344], %bitcast3A_338 {strides = array<i32>} : memref<128x128xf32, #tpu.memory_space<vmem>>, vector<16xf32>,
          %swap3A_346 = arith.index_cast %add3A_301 : i32 to index
          %swap3A_347 = arith.constant 96 : index
          %swap3A_348 = tpu.vector_load %arg13[%swap3A_346, %swap3A_347] {strides = array<i32>} : memref<128x128xf32, #tpu.memory_space<vmem>>, vector<16xf32>,
          tpu.vector_store %arg13[%swap3A_346, %swap3A_347], %bitcast3A_342 {strides = array<i32>} : memref<128x128xf32, #tpu.memory_space<vmem>>, vector<16xf32>,
          %get3A_349 = arith.index_cast %add3A_301 : i32 to index
          %get3A_350 = arith.constant 48 : index
          %get3A_351 = tpu.vector_load %arg11[%get3A_349, %get3A_350] {strides = array<i32>} : memref<128x64xi32, #tpu.memory_space<vmem>>, vector<16xi32>,
          %shift_left3A_352 = arith.constant 16 : i32
          %shift_left3A_353 = vector.broadcast %shift_left3A_352 : i32 to vector<16xi32>
          %shift_left3A_354 = arith.shli %get3A_351, %shift_left3A_353 : vector<16xi32>
          %bitcast3A_355 = vector.bitcast %shift_left3A_354 : vector<16xi32> to vector<16xf32>
          %and3A_356 = arith.constant -65536 : i32
          %and3A_357 = vector.broadcast %and3A_356 : i32 to vector<16xi32>
          %and3A_358 = arith.andi %get3A_351, %and3A_357 : vector<16xi32>
          %bitcast3A_359 = vector.bitcast %and3A_358 : vector<16xi32> to vector<16xf32>
          %swap3A_360 = arith.index_cast %add3A_301 : i32 to index
          %swap3A_361 = arith.constant 48 : index
          %swap3A_362 = tpu.vector_load %arg13[%swap3A_360, %swap3A_361] {strides = array<i32>} : memref<128x128xf32, #tpu.memory_space<vmem>>, vector<16xf32>,
          tpu.vector_store %arg13[%swap3A_360, %swap3A_361], %bitcast3A_355 {strides = array<i32>} : memref<128x128xf32, #tpu.memory_space<vmem>>, vector<16xf32>,
          %swap3A_363 = arith.index_cast %add3A_301 : i32 to index
          %swap3A_364 = arith.constant 112 : index
          %swap3A_365 = tpu.vector_load %arg13[%swap3A_363, %swap3A_364] {strides = array<i32>} : memref<128x128xf32, #tpu.memory_space<vmem>>, vector<16xf32>,
          tpu.vector_store %arg13[%swap3A_363, %swap3A_364], %bitcast3A_359 {strides = array<i32>} : memref<128x128xf32, #tpu.memory_space<vmem>>, vector<16xf32>,
        }
        %scan3A_247 = arith.constant 128 : i32
        %dma_start3A_248 = arith.constant 0 : i32
        %dma_start3A_249 = arith.constant 0 : i32
        %dma_start3A_250 = tpu.memref_slice %arg8[%select_n3A_79, %dma_start3A_248, %dma_start3A_249] : memref<2x16x128xi32, #tpu.memory_space<vmem>> -> memref<1x16x128xi32, #tpu.memory_space<vmem>>
        %dma_start3A_251 = tpu.memref_squeeze %dma_start3A_250 : memref<1x16x128xi32, #tpu.memory_space<vmem>> -> memref<16x128xi32, #tpu.memory_space<vmem>>
        %dma_start3A_252 = arith.constant 0 : i32
        %dma_start3A_253 = tpu.memref_slice %dma_start3A_251[%add3A_220, %dma_start3A_252] : memref<16x128xi32, #tpu.memory_space<vmem>> -> memref<1x128xi32, #tpu.memory_space<vmem>>
        %dma_start3A_254 = tpu.memref_squeeze %dma_start3A_253 : memref<1x128xi32, #tpu.memory_space<vmem>> -> memref<128xi32, #tpu.memory_space<vmem>>
        %dma_start3A_255 = arith.constant 0 : i32
        %dma_start3A_256 = arith.constant 0 : i32
        %dma_start3A_257 = tpu.memref_slice %arg6[%dma_start3A_255, %dma_start3A_256] : memref<5120x128xf32, #tpu.memory_space<vmem_shared>> -> memref<5120x128xf32, #tpu.memory_space<vmem_shared>>
        tpu.enqueue_indirect_dma source(%arg13 : memref<128x128xf32, #tpu.memory_space<vmem>>) target(%dma_start3A_257 : memref<5120x128xf32, #tpu.memory_space<vmem_shared>>) offsets(%dma_start3A_254 : memref<128xi32, #tpu.memory_space<vmem>>) semaphore(%arg19 : memref<!tpu.dma_semaphore, #tpu.memory_space<semaphore_mem>>) {add = true}
        %add3A_258 = arith.constant 3 : i32
        %add3A_259 = arith.addi %add3A_141, %add3A_258 : i32
        %dma_wait3A_260 = arith.constant 0 : i32
        %dma_wait3A_261 = arith.constant 0 : i32
        %dma_wait3A_262 = tpu.memref_slice %arg7[%select_n3A_79, %dma_wait3A_260, %dma_wait3A_261] : memref<2x16x128xi32, #tpu.memory_space<vmem>> -> memref<1x16x128xi32, #tpu.memory_space<vmem>>
        %dma_wait3A_263 = tpu.memref_squeeze %dma_wait3A_262 : memref<1x16x128xi32, #tpu.memory_space<vmem>> -> memref<16x128xi32, #tpu.memory_space<vmem>>
        %dma_wait3A_264 = arith.constant 0 : i32
        %dma_wait3A_265 = tpu.memref_slice %dma_wait3A_263[%add3A_259, %dma_wait3A_264] : memref<16x128xi32, #tpu.memory_space<vmem>> -> memref<1x128xi32, #tpu.memory_space<vmem>>
        %dma_wait3A_266 = tpu.memref_squeeze %dma_wait3A_265 : memref<1x128xi32, #tpu.memory_space<vmem>> -> memref<128xi32, #tpu.memory_space<vmem>>
        %dma_wait3A_267 = arith.constant 0 : i32
        %dma_wait3A_268 = arith.constant 0 : i32
        %dma_wait3A_269 = tpu.memref_slice %arg2[%dma_wait3A_267, %dma_wait3A_268] : memref<5008x64xi32, #tpu.memory_space<hbm>> -> memref<5008x64xi32, #tpu.memory_space<hbm>>
        tpu.wait_indirect_dma semaphore(%arg18 : memref<!tpu.dma_semaphore, #tpu.memory_space<semaphore_mem>>) src(%dma_wait3A_269 : memref<5008x64xi32, #tpu.memory_space<hbm>>) dst(%arg12 : memref<128x64xi32, #tpu.memory_space<vmem>>)
        %add3A_270 = arith.constant 2 : i32
        %add3A_271 = arith.addi %add3A_259, %add3A_270 : i32
        %lt3A_272 = arith.constant 16 : i32
        %lt3A_273 = arith.cmpi slt, %add3A_271, %lt3A_272 : i32
        %convert_element_type3A_274 = arith.extui %lt3A_273 : i1 to i32
        %cond3A_275 = arith.constant 0 : i32
        %cond3A_276 = arith.cmpi ne, %convert_element_type3A_274, %cond3A_275 : i32
        scf.if %cond3A_276 {
          %add3A_297 = arith.constant 2 : i32
          %add3A_298 = arith.addi %add3A_259, %add3A_297 : i32
          %dma_start3A_299 = arith.constant 0 : i32
          %dma_start3A_300 = arith.constant 0 : i32
          %dma_start3A_301 = tpu.memref_slice %arg7[%select_n3A_79, %dma_start3A_299, %dma_start3A_300] : memref<2x16x128xi32, #tpu.memory_space<vmem>> -> memref<1x16x128xi32, #tpu.memory_space<vmem>>
          %dma_start3A_302 = tpu.memref_squeeze %dma_start3A_301 : memref<1x16x128xi32, #tpu.memory_space<vmem>> -> memref<16x128xi32, #tpu.memory_space<vmem>>
          %dma_start3A_303 = arith.constant 0 : i32
          %dma_start3A_304 = tpu.memref_slice %dma_start3A_302[%add3A_298, %dma_start3A_303] : memref<16x128xi32, #tpu.memory_space<vmem>> -> memref<1x128xi32, #tpu.memory_space<vmem>>
          %dma_start3A_305 = tpu.memref_squeeze %dma_start3A_304 : memref<1x128xi32, #tpu.memory_space<vmem>> -> memref<128xi32, #tpu.memory_space<vmem>>
          %dma_start3A_306 = arith.constant 0 : i32
          %dma_start3A_307 = arith.constant 0 : i32
          %dma_start3A_308 = tpu.memref_slice %arg2[%dma_start3A_306, %dma_start3A_307] : memref<5008x64xi32, #tpu.memory_space<hbm>> -> memref<5008x64xi32, #tpu.memory_space<hbm>>
          tpu.enqueue_indirect_dma source(%dma_start3A_308 : memref<5008x64xi32, #tpu.memory_space<hbm>>) target(%arg10 : memref<128x64xi32, #tpu.memory_space<vmem>>) offsets(%dma_start3A_305 : memref<128xi32, #tpu.memory_space<vmem>>) semaphore(%arg16 : memref<!tpu.dma_semaphore, #tpu.memory_space<semaphore_mem>>)
        } else {
        }
        %ge3A_277 = arith.constant 2 : i32
        %ge3A_278 = arith.cmpi sge, %add3A_259, %ge3A_277 : i32
        %convert_element_type3A_279 = arith.extui %ge3A_278 : i1 to i32
        %cond3A_280 = arith.constant 0 : i32
        %cond3A_281 = arith.cmpi ne, %convert_element_type3A_279, %cond3A_280 : i32
        scf.if %cond3A_281 {
          %sub3A = arith.constant 2 : i32
          %sub3A_297 = arith.subi %add3A_259, %sub3A : i32
          %dma_wait3A_298 = arith.constant 0 : i32
          %dma_wait3A_299 = arith.constant 0 : i32
          %dma_wait3A_300 = tpu.memref_slice %arg8[%select_n3A_79, %dma_wait3A_298, %dma_wait3A_299] : memref<2x16x128xi32, #tpu.memory_space<vmem>> -> memref<1x16x128xi32, #tpu.memory_space<vmem>>
          %dma_wait3A_301 = tpu.memref_squeeze %dma_wait3A_300 : memref<1x16x128xi32, #tpu.memory_space<vmem>> -> memref<16x128xi32, #tpu.memory_space<vmem>>
          %dma_wait3A_302 = arith.constant 0 : i32
          %dma_wait3A_303 = tpu.memref_slice %dma_wait3A_301[%sub3A_297, %dma_wait3A_302] : memref<16x128xi32, #tpu.memory_space<vmem>> -> memref<1x128xi32, #tpu.memory_space<vmem>>
          %dma_wait3A_304 = tpu.memref_squeeze %dma_wait3A_303 : memref<1x128xi32, #tpu.memory_space<vmem>> -> memref<128xi32, #tpu.memory_space<vmem>>
          %dma_wait3A_305 = arith.constant 0 : i32
          %dma_wait3A_306 = arith.constant 0 : i32
          %dma_wait3A_307 = tpu.memref_slice %arg6[%dma_wait3A_305, %dma_wait3A_306] : memref<5120x128xf32, #tpu.memory_space<vmem_shared>> -> memref<5120x128xf32, #tpu.memory_space<vmem_shared>>
          tpu.wait_indirect_dma semaphore(%arg20 : memref<!tpu.dma_semaphore, #tpu.memory_space<semaphore_mem>>) src(%arg14 : memref<128x128xf32, #tpu.memory_space<vmem>>) dst(%dma_wait3A_307 : memref<5120x128xf32, #tpu.memory_space<vmem_shared>>)
        } else {
        }
        %scan3A_282 = arith.constant 0 : i32
        %scan3A_283 = arith.constant 128 : i32
        %scan3A_284 = arith.addi %scan3A_282, %scan3A_283 : i32
        %scan3A_285 = arith.constant 1 : i32
        scf.for %scan3A_297 = %scan3A_282 to %scan3A_284 step %scan3A_285  : i32 {
          %mul3A_298 = arith.constant 1 : i32
          %mul3A_299 = arith.muli %scan3A_297, %mul3A_298 : i32
          %add3A_300 = arith.constant 0 : i32
          %add3A_301 = arith.addi %add3A_300, %mul3A_299 : i32
          %get3A = arith.index_cast %add3A_301 : i32 to index
          %get3A_302 = arith.constant 0 : index
          %get3A_303 = tpu.vector_load %arg12[%get3A, %get3A_302] {strides = array<i32>} : memref<128x64xi32, #tpu.memory_space<vmem>>, vector<16xi32>,
          %shift_left3A = arith.constant 16 : i32
          %shift_left3A_304 = vector.broadcast %shift_left3A : i32 to vector<16xi32>
          %shift_left3A_305 = arith.shli %get3A_303, %shift_left3A_304 : vector<16xi32>
          %bitcast3A = vector.bitcast %shift_left3A_305 : vector<16xi32> to vector<16xf32>
          %and3A_306 = arith.constant -65536 : i32
          %and3A_307 = vector.broadcast %and3A_306 : i32 to vector<16xi32>
          %and3A_308 = arith.andi %get3A_303, %and3A_307 : vector<16xi32>
          %bitcast3A_309 = vector.bitcast %and3A_308 : vector<16xi32> to vector<16xf32>
          %swap3A = arith.index_cast %add3A_301 : i32 to index
          %swap3A_310 = arith.constant 0 : index
          %swap3A_311 = tpu.vector_load %arg14[%swap3A, %swap3A_310] {strides = array<i32>} : memref<128x128xf32, #tpu.memory_space<vmem>>, vector<16xf32>,
          tpu.vector_store %arg14[%swap3A, %swap3A_310], %bitcast3A {strides = array<i32>} : memref<128x128xf32, #tpu.memory_space<vmem>>, vector<16xf32>,
          %swap3A_312 = arith.index_cast %add3A_301 : i32 to index
          %swap3A_313 = arith.constant 64 : index
          %swap3A_314 = tpu.vector_load %arg14[%swap3A_312, %swap3A_313] {strides = array<i32>} : memref<128x128xf32, #tpu.memory_space<vmem>>, vector<16xf32>,
          tpu.vector_store %arg14[%swap3A_312, %swap3A_313], %bitcast3A_309 {strides = array<i32>} : memref<128x128xf32, #tpu.memory_space<vmem>>, vector<16xf32>,
          %get3A_315 = arith.index_cast %add3A_301 : i32 to index
          %get3A_316 = arith.constant 16 : index
          %get3A_317 = tpu.vector_load %arg12[%get3A_315, %get3A_316] {strides = array<i32>} : memref<128x64xi32, #tpu.memory_space<vmem>>, vector<16xi32>,
          %shift_left3A_318 = arith.constant 16 : i32
          %shift_left3A_319 = vector.broadcast %shift_left3A_318 : i32 to vector<16xi32>
          %shift_left3A_320 = arith.shli %get3A_317, %shift_left3A_319 : vector<16xi32>
          %bitcast3A_321 = vector.bitcast %shift_left3A_320 : vector<16xi32> to vector<16xf32>
          %and3A_322 = arith.constant -65536 : i32
          %and3A_323 = vector.broadcast %and3A_322 : i32 to vector<16xi32>
          %and3A_324 = arith.andi %get3A_317, %and3A_323 : vector<16xi32>
          %bitcast3A_325 = vector.bitcast %and3A_324 : vector<16xi32> to vector<16xf32>
          %swap3A_326 = arith.index_cast %add3A_301 : i32 to index
          %swap3A_327 = arith.constant 16 : index
          %swap3A_328 = tpu.vector_load %arg14[%swap3A_326, %swap3A_327] {strides = array<i32>} : memref<128x128xf32, #tpu.memory_space<vmem>>, vector<16xf32>,
          tpu.vector_store %arg14[%swap3A_326, %swap3A_327], %bitcast3A_321 {strides = array<i32>} : memref<128x128xf32, #tpu.memory_space<vmem>>, vector<16xf32>,
          %swap3A_329 = arith.index_cast %add3A_301 : i32 to index
          %swap3A_330 = arith.constant 80 : index
          %swap3A_331 = tpu.vector_load %arg14[%swap3A_329, %swap3A_330] {strides = array<i32>} : memref<128x128xf32, #tpu.memory_space<vmem>>, vector<16xf32>,
          tpu.vector_store %arg14[%swap3A_329, %swap3A_330], %bitcast3A_325 {strides = array<i32>} : memref<128x128xf32, #tpu.memory_space<vmem>>, vector<16xf32>,
          %get3A_332 = arith.index_cast %add3A_301 : i32 to index
          %get3A_333 = arith.constant 32 : index
          %get3A_334 = tpu.vector_load %arg12[%get3A_332, %get3A_333] {strides = array<i32>} : memref<128x64xi32, #tpu.memory_space<vmem>>, vector<16xi32>,
          %shift_left3A_335 = arith.constant 16 : i32
          %shift_left3A_336 = vector.broadcast %shift_left3A_335 : i32 to vector<16xi32>
          %shift_left3A_337 = arith.shli %get3A_334, %shift_left3A_336 : vector<16xi32>
          %bitcast3A_338 = vector.bitcast %shift_left3A_337 : vector<16xi32> to vector<16xf32>
          %and3A_339 = arith.constant -65536 : i32
          %and3A_340 = vector.broadcast %and3A_339 : i32 to vector<16xi32>
          %and3A_341 = arith.andi %get3A_334, %and3A_340 : vector<16xi32>
          %bitcast3A_342 = vector.bitcast %and3A_341 : vector<16xi32> to vector<16xf32>
          %swap3A_343 = arith.index_cast %add3A_301 : i32 to index
          %swap3A_344 = arith.constant 32 : index
          %swap3A_345 = tpu.vector_load %arg14[%swap3A_343, %swap3A_344] {strides = array<i32>} : memref<128x128xf32, #tpu.memory_space<vmem>>, vector<16xf32>,
          tpu.vector_store %arg14[%swap3A_343, %swap3A_344], %bitcast3A_338 {strides = array<i32>} : memref<128x128xf32, #tpu.memory_space<vmem>>, vector<16xf32>,
          %swap3A_346 = arith.index_cast %add3A_301 : i32 to index
          %swap3A_347 = arith.constant 96 : index
          %swap3A_348 = tpu.vector_load %arg14[%swap3A_346, %swap3A_347] {strides = array<i32>} : memref<128x128xf32, #tpu.memory_space<vmem>>, vector<16xf32>,
          tpu.vector_store %arg14[%swap3A_346, %swap3A_347], %bitcast3A_342 {strides = array<i32>} : memref<128x128xf32, #tpu.memory_space<vmem>>, vector<16xf32>,
          %get3A_349 = arith.index_cast %add3A_301 : i32 to index
          %get3A_350 = arith.constant 48 : index
          %get3A_351 = tpu.vector_load %arg12[%get3A_349, %get3A_350] {strides = array<i32>} : memref<128x64xi32, #tpu.memory_space<vmem>>, vector<16xi32>,
          %shift_left3A_352 = arith.constant 16 : i32
          %shift_left3A_353 = vector.broadcast %shift_left3A_352 : i32 to vector<16xi32>
          %shift_left3A_354 = arith.shli %get3A_351, %shift_left3A_353 : vector<16xi32>
          %bitcast3A_355 = vector.bitcast %shift_left3A_354 : vector<16xi32> to vector<16xf32>
          %and3A_356 = arith.constant -65536 : i32
          %and3A_357 = vector.broadcast %and3A_356 : i32 to vector<16xi32>
          %and3A_358 = arith.andi %get3A_351, %and3A_357 : vector<16xi32>
          %bitcast3A_359 = vector.bitcast %and3A_358 : vector<16xi32> to vector<16xf32>
          %swap3A_360 = arith.index_cast %add3A_301 : i32 to index
          %swap3A_361 = arith.constant 48 : index
          %swap3A_362 = tpu.vector_load %arg14[%swap3A_360, %swap3A_361] {strides = array<i32>} : memref<128x128xf32, #tpu.memory_space<vmem>>, vector<16xf32>,
          tpu.vector_store %arg14[%swap3A_360, %swap3A_361], %bitcast3A_355 {strides = array<i32>} : memref<128x128xf32, #tpu.memory_space<vmem>>, vector<16xf32>,
          %swap3A_363 = arith.index_cast %add3A_301 : i32 to index
          %swap3A_364 = arith.constant 112 : index
          %swap3A_365 = tpu.vector_load %arg14[%swap3A_363, %swap3A_364] {strides = array<i32>} : memref<128x128xf32, #tpu.memory_space<vmem>>, vector<16xf32>,
          tpu.vector_store %arg14[%swap3A_363, %swap3A_364], %bitcast3A_359 {strides = array<i32>} : memref<128x128xf32, #tpu.memory_space<vmem>>, vector<16xf32>,
        }
        %scan3A_286 = arith.constant 128 : i32
        %dma_start3A_287 = arith.constant 0 : i32
        %dma_start3A_288 = arith.constant 0 : i32
        %dma_start3A_289 = tpu.memref_slice %arg8[%select_n3A_79, %dma_start3A_287, %dma_start3A_288] : memref<2x16x128xi32, #tpu.memory_space<vmem>> -> memref<1x16x128xi32, #tpu.memory_space<vmem>>
        %dma_start3A_290 = tpu.memref_squeeze %dma_start3A_289 : memref<1x16x128xi32, #tpu.memory_space<vmem>> -> memref<16x128xi32, #tpu.memory_space<vmem>>
        %dma_start3A_291 = arith.constant 0 : i32
        %dma_start3A_292 = tpu.memref_slice %dma_start3A_290[%add3A_259, %dma_start3A_291] : memref<16x128xi32, #tpu.memory_space<vmem>> -> memref<1x128xi32, #tpu.memory_space<vmem>>
        %dma_start3A_293 = tpu.memref_squeeze %dma_start3A_292 : memref<1x128xi32, #tpu.memory_space<vmem>> -> memref<128xi32, #tpu.memory_space<vmem>>
        %dma_start3A_294 = arith.constant 0 : i32
        %dma_start3A_295 = arith.constant 0 : i32
        %dma_start3A_296 = tpu.memref_slice %arg6[%dma_start3A_294, %dma_start3A_295] : memref<5120x128xf32, #tpu.memory_space<vmem_shared>> -> memref<5120x128xf32, #tpu.memory_space<vmem_shared>>
        tpu.enqueue_indirect_dma source(%arg14 : memref<128x128xf32, #tpu.memory_space<vmem>>) target(%dma_start3A_296 : memref<5120x128xf32, #tpu.memory_space<vmem_shared>>) offsets(%dma_start3A_293 : memref<128xi32, #tpu.memory_space<vmem>>) semaphore(%arg20 : memref<!tpu.dma_semaphore, #tpu.memory_space<semaphore_mem>>) {add = true}
      }
      %scan3A_115 = arith.constant 4 : i32
      %dma_wait3A = arith.constant 14 : i32
      %dma_wait3A_116 = arith.constant 0 : i32
      %dma_wait3A_117 = arith.constant 0 : i32
      %dma_wait3A_118 = tpu.memref_slice %arg8[%select_n3A_79, %dma_wait3A_116, %dma_wait3A_117] : memref<2x16x128xi32, #tpu.memory_space<vmem>> -> memref<1x16x128xi32, #tpu.memory_space<vmem>>
      %dma_wait3A_119 = tpu.memref_squeeze %dma_wait3A_118 : memref<1x16x128xi32, #tpu.memory_space<vmem>> -> memref<16x128xi32, #tpu.memory_space<vmem>>
      %dma_wait3A_120 = arith.constant 0 : i32
      %dma_wait3A_121 = tpu.memref_slice %dma_wait3A_119[%dma_wait3A, %dma_wait3A_120] : memref<16x128xi32, #tpu.memory_space<vmem>> -> memref<1x128xi32, #tpu.memory_space<vmem>>
      %dma_wait3A_122 = tpu.memref_squeeze %dma_wait3A_121 : memref<1x128xi32, #tpu.memory_space<vmem>> -> memref<128xi32, #tpu.memory_space<vmem>>
      %dma_wait3A_123 = arith.constant 0 : i32
      %dma_wait3A_124 = arith.constant 0 : i32
      %dma_wait3A_125 = tpu.memref_slice %arg6[%dma_wait3A_123, %dma_wait3A_124] : memref<5120x128xf32, #tpu.memory_space<vmem_shared>> -> memref<5120x128xf32, #tpu.memory_space<vmem_shared>>
      tpu.wait_indirect_dma semaphore(%arg19 : memref<!tpu.dma_semaphore, #tpu.memory_space<semaphore_mem>>) src(%arg13 : memref<128x128xf32, #tpu.memory_space<vmem>>) dst(%dma_wait3A_125 : memref<5120x128xf32, #tpu.memory_space<vmem_shared>>)
      %dma_wait3A_126 = arith.constant 15 : i32
      %dma_wait3A_127 = arith.constant 0 : i32
      %dma_wait3A_128 = arith.constant 0 : i32
      %dma_wait3A_129 = tpu.memref_slice %arg8[%select_n3A_79, %dma_wait3A_127, %dma_wait3A_128] : memref<2x16x128xi32, #tpu.memory_space<vmem>> -> memref<1x16x128xi32, #tpu.memory_space<vmem>>
      %dma_wait3A_130 = tpu.memref_squeeze %dma_wait3A_129 : memref<1x16x128xi32, #tpu.memory_space<vmem>> -> memref<16x128xi32, #tpu.memory_space<vmem>>
      %dma_wait3A_131 = arith.constant 0 : i32
      %dma_wait3A_132 = tpu.memref_slice %dma_wait3A_130[%dma_wait3A_126, %dma_wait3A_131] : memref<16x128xi32, #tpu.memory_space<vmem>> -> memref<1x128xi32, #tpu.memory_space<vmem>>
      %dma_wait3A_133 = tpu.memref_squeeze %dma_wait3A_132 : memref<1x128xi32, #tpu.memory_space<vmem>> -> memref<128xi32, #tpu.memory_space<vmem>>
      %dma_wait3A_134 = arith.constant 0 : i32
      %dma_wait3A_135 = arith.constant 0 : i32
      %dma_wait3A_136 = tpu.memref_slice %arg6[%dma_wait3A_134, %dma_wait3A_135] : memref<5120x128xf32, #tpu.memory_space<vmem_shared>> -> memref<5120x128xf32, #tpu.memory_space<vmem_shared>>
      tpu.wait_indirect_dma semaphore(%arg20 : memref<!tpu.dma_semaphore, #tpu.memory_space<semaphore_mem>>) src(%arg14 : memref<128x128xf32, #tpu.memory_space<vmem>>) dst(%dma_wait3A_136 : memref<5120x128xf32, #tpu.memory_space<vmem_shared>>)
    }
    %scan3A_64 = arith.constant 5 : i32
    %barrier3A_65 = arith.constant 0 : index
    tpu.barrier barrier_id(%barrier3A_65)
    "tpu.region"() ({
      %run_scoped3A_66 = tpu.sem_alloc : memref<!tpu.dma_semaphore, #tpu.memory_space<semaphore_mem>>
      %dma_start3A_67 = arith.constant 0 : i32
      %dma_start3A_68 = arith.constant 0 : i32
      %dma_start3A_69 = tpu.memref_slice %arg5[%arg0, %dma_start3A_67, %dma_start3A_68] : memref<2x5120x128xf32, #tpu.memory_space<hbm>> -> memref<1x5120x128xf32, #tpu.memory_space<hbm>>
      %dma_start3A_70 = tpu.memref_squeeze %dma_start3A_69 : memref<1x5120x128xf32, #tpu.memory_space<hbm>> -> memref<5120x128xf32, #tpu.memory_space<hbm>>
      %dma_start3A_71 = arith.constant 0 : i32
      %dma_start3A_72 = tpu.memref_slice %dma_start3A_70[%mul3A_6, %dma_start3A_71] : memref<5120x128xf32, #tpu.memory_space<hbm>> -> memref<320x128xf32, #tpu.memory_space<hbm>>
      %dma_start3A_73 = arith.constant 0 : i32
      %dma_start3A_74 = tpu.memref_slice %arg6[%mul3A_6, %dma_start3A_73] : memref<5120x128xf32, #tpu.memory_space<vmem_shared>> -> memref<320x128xf32, #tpu.memory_space<vmem_shared>>
      tpu.enqueue_dma source(%dma_start3A_74 : memref<320x128xf32, #tpu.memory_space<vmem_shared>>) target(%dma_start3A_72 : memref<320x128xf32, #tpu.memory_space<hbm>>) target_semaphore(%run_scoped3A_66 : memref<!tpu.dma_semaphore, #tpu.memory_space<semaphore_mem>>)
      %dma_wait3A = arith.constant 0 : i32
      %dma_wait3A_75 = arith.constant 0 : i32
      %dma_wait3A_76 = tpu.memref_slice %arg5[%arg0, %dma_wait3A, %dma_wait3A_75] : memref<2x5120x128xf32, #tpu.memory_space<hbm>> -> memref<1x5120x128xf32, #tpu.memory_space<hbm>>
      %dma_wait3A_77 = tpu.memref_squeeze %dma_wait3A_76 : memref<1x5120x128xf32, #tpu.memory_space<hbm>> -> memref<5120x128xf32, #tpu.memory_space<hbm>>
      %dma_wait3A_78 = arith.constant 0 : i32
      %dma_wait3A_79 = tpu.memref_slice %dma_wait3A_77[%mul3A_6, %dma_wait3A_78] : memref<5120x128xf32, #tpu.memory_space<hbm>> -> memref<320x128xf32, #tpu.memory_space<hbm>>
      %dma_wait3A_80 = arith.constant 0 : i32
      %dma_wait3A_81 = tpu.memref_slice %arg6[%mul3A_6, %dma_wait3A_80] : memref<5120x128xf32, #tpu.memory_space<vmem_shared>> -> memref<320x128xf32, #tpu.memory_space<vmem_shared>>
      tpu.wait_dma2 semaphore(%run_scoped3A_66 : memref<!tpu.dma_semaphore, #tpu.memory_space<semaphore_mem>>) src(%dma_wait3A_81 : memref<320x128xf32, #tpu.memory_space<vmem_shared>>) dst(%dma_wait3A_79 : memref<320x128xf32, #tpu.memory_space<hbm>>)
      tpu.yield
    }) : () -> ()
    return
  }
}

module attributes {stable_mosaic.version = 14 : i64} {
  func.func @_mm0_body(%arg0: memref<5008x128xf32, #tpu.memory_space<vmem>>, %arg1: memref<5000x128xf32, #tpu.memory_space<vmem>>, %arg2: memref<128x128xf32, #tpu.memory_space<vmem>>, %arg3: memref<5008x128xf32, #tpu.memory_space<vmem>>, %arg4: memref<5000x128xf32, #tpu.memory_space<vmem>>, %arg5: memref<5008x64xi32, #tpu.memory_space<vmem>>) attributes {dimension_semantics = [], scalar_prefetch = 0 : i64, scratch_operands = 0 : i64, tpu.core_type = #tpu.core_type<tc>} {
    %get3A = arith.constant 0 : index
    %get3A_0 = arith.constant 0 : index
    %get3A_1 = vector.load %arg2[%get3A, %get3A_0] : memref<128x128xf32, #tpu.memory_space<vmem>>, vector<128x128xf32>
    %get3A_2 = arith.constant 0 : index
    %get3A_3 = arith.constant 0 : index
    %get3A_4 = vector.load %arg0[%get3A_2, %get3A_3] : memref<5008x128xf32, #tpu.memory_space<vmem>>, vector<5008x128xf32>
    %dot_general3A = arith.constant dense<0.000000e+00> : vector<5008x128xf32>
    %dot_general3A_5 = tpu.matmul %get3A_4, %get3A_1, %dot_general3A {dimension_numbers = #tpu.dot_dimension_numbers<[1], [0], [0], [1], [0, 0, 1, 1], [], []>, precision = #tpu.contract_precision<fp32>, transpose_lhs_hint = false} : vector<5008x128xf32>, vector<128x128xf32>, vector<5008x128xf32> -> vector<5008x128xf32>
    %swap3A = arith.constant 0 : index
    %swap3A_6 = arith.constant 0 : index
    %swap3A_7 = vector.load %arg3[%swap3A, %swap3A_6] : memref<5008x128xf32, #tpu.memory_space<vmem>>, vector<5008x128xf32>
    tpu.vector_store %arg3[%swap3A, %swap3A_6], %dot_general3A_5 {strides = array<i32>} : memref<5008x128xf32, #tpu.memory_space<vmem>>, vector<5008x128xf32>,
    %convert_element_type3A = arith.truncf %dot_general3A_5 : vector<5008x128xf32> to vector<5008x128xbf16>
    %bitcast_convert_type3A = tpu.bitcast %convert_element_type3A : vector<5008x128xbf16> -> vector<5008x128xi16>
    %slice3A = vector.extract_strided_slice %bitcast_convert_type3A {offsets = [0, 0], sizes = [5008, 64], strides = [1, 1]} : vector<5008x128xi16> to vector<5008x64xi16>
    %convert_element_type3A_8 = arith.extui %slice3A : vector<5008x64xi16> to vector<5008x64xi32>
    %slice3A_9 = vector.extract_strided_slice %bitcast_convert_type3A {offsets = [0, 64], sizes = [5008, 64], strides = [1, 1]} : vector<5008x128xi16> to vector<5008x64xi16>
    %convert_element_type3A_10 = arith.extui %slice3A_9 : vector<5008x64xi16> to vector<5008x64xi32>
    %shift_left3A = arith.constant 16 : i32
    %shift_left3A_11 = vector.broadcast %shift_left3A : i32 to vector<5008x64xi32>
    %shift_left3A_12 = arith.shli %convert_element_type3A_10, %shift_left3A_11 : vector<5008x64xi32>
    %or3A = arith.ori %convert_element_type3A_8, %shift_left3A_12 : vector<5008x64xi32>
    %bitcast_convert_type3A_13 = tpu.bitcast %or3A : vector<5008x64xi32> -> vector<5008x64xi32>
    %swap3A_14 = arith.constant 0 : index
    %swap3A_15 = arith.constant 0 : index
    %swap3A_16 = vector.load %arg5[%swap3A_14, %swap3A_15] : memref<5008x64xi32, #tpu.memory_space<vmem>>, vector<5008x64xi32>
    tpu.vector_store %arg5[%swap3A_14, %swap3A_15], %bitcast_convert_type3A_13 {strides = array<i32>} : memref<5008x64xi32, #tpu.memory_space<vmem>>, vector<5008x64xi32>,
    %get3A_17 = arith.constant 0 : index
    %get3A_18 = arith.constant 0 : index
    %get3A_19 = vector.load %arg1[%get3A_17, %get3A_18] : memref<5000x128xf32, #tpu.memory_space<vmem>>, vector<5000x128xf32>
    %dot_general3A_20 = arith.constant dense<0.000000e+00> : vector<5000x128xf32>
    %dot_general3A_21 = tpu.matmul %get3A_19, %get3A_1, %dot_general3A_20 {dimension_numbers = #tpu.dot_dimension_numbers<[1], [0], [0], [1], [0, 0, 1, 1], [], []>, precision = #tpu.contract_precision<fp32>, transpose_lhs_hint = false} : vector<5000x128xf32>, vector<128x128xf32>, vector<5000x128xf32> -> vector<5000x128xf32>
    %swap3A_22 = arith.constant 0 : index
    %swap3A_23 = arith.constant 0 : index
    %swap3A_24 = vector.load %arg4[%swap3A_22, %swap3A_23] : memref<5000x128xf32, #tpu.memory_space<vmem>>, vector<5000x128xf32>
    tpu.vector_store %arg4[%swap3A_22, %swap3A_23], %dot_general3A_21 {strides = array<i32>} : memref<5000x128xf32, #tpu.memory_space<vmem>>, vector<5000x128xf32>,
    return
  }
}

module attributes {stable_mosaic.version = 14 : i64} {
  func.func @_fin_body(%arg0: i32, %arg1: memref<5000x128xf32, #tpu.memory_space<vmem>>, %arg2: memref<5000x128xf32, #tpu.memory_space<vmem>>, %arg3: memref<2x5000x128xf32, #tpu.memory_space<vmem>>, %arg4: memref<2x5000x16xf32, #tpu.memory_space<vmem>>, %arg5: memref<128x128xf32, #tpu.memory_space<vmem>>, %arg6: memref<5000x128xf32, #tpu.memory_space<vmem>>, %arg7: memref<5000x128xf32, #tpu.memory_space<vmem>>) attributes {dimension_semantics = [#tpu.dimension_semantics<arbitrary>], iteration_bounds = array<i64: 1>, scalar_prefetch = 0 : i64, scratch_operands = 0 : i64, tpu.core_type = #tpu.core_type<tc>, window_params = [{transform_indices = @transform_0, window_bounds = array<i64: 5000, 128>}, {pipeline_mode = #tpu.pipeline_mode<synchronous>, transform_indices = @transform_1, window_bounds = array<i64: 5000, 128>}, {transform_indices = @transform_2, window_bounds = array<i64: 2, 5000, 128>}, {transform_indices = @transform_3, window_bounds = array<i64: 2, 5000, 16>}, {pipeline_mode = #tpu.pipeline_mode<synchronous>, transform_indices = @transform_4, window_bounds = array<i64: 128, 128>}, {pipeline_mode = #tpu.pipeline_mode<synchronous>, transform_indices = @transform_5, window_bounds = array<i64: 5000, 128>}, {pipeline_mode = #tpu.pipeline_mode<synchronous>, transform_indices = @transform_6, window_bounds = array<i64: 5000, 128>}]} {
    %get3A = arith.constant 0 : index
    %get3A_0 = arith.constant 0 : index
    %get3A_1 = vector.load %arg5[%get3A, %get3A_0] : memref<128x128xf32, #tpu.memory_space<vmem>>, vector<128x128xf32>
    %get3A_2 = arith.constant 0 : index
    %get3A_3 = arith.constant 0 : index
    %get3A_4 = vector.load %arg1[%get3A_2, %get3A_3] : memref<5000x128xf32, #tpu.memory_space<vmem>>, vector<5000x128xf32>
    %max3A = arith.constant 0.000000e+00 : f32
    %max3A_5 = vector.broadcast %max3A : f32 to vector<5000x128xf32>
    %max3A_6 = arith.maximumf %get3A_4, %max3A_5 : vector<5000x128xf32>
    %dot_general3A = arith.constant dense<0.000000e+00> : vector<5000x128xf32>
    %dot_general3A_7 = tpu.matmul %max3A_6, %get3A_1, %dot_general3A {dimension_numbers = #tpu.dot_dimension_numbers<[1], [0], [0], [1], [0, 0, 1, 1], [], []>, precision = #tpu.contract_precision<fp32>, transpose_lhs_hint = false} : vector<5000x128xf32>, vector<128x128xf32>, vector<5000x128xf32> -> vector<5000x128xf32>
    %swap3A = arith.constant 0 : index
    %swap3A_8 = arith.constant 0 : index
    %swap3A_9 = vector.load %arg6[%swap3A, %swap3A_8] : memref<5000x128xf32, #tpu.memory_space<vmem>>, vector<5000x128xf32>
    tpu.vector_store %arg6[%swap3A, %swap3A_8], %dot_general3A_7 {strides = array<i32>} : memref<5000x128xf32, #tpu.memory_space<vmem>>, vector<5000x128xf32>,
    %get3A_10 = arith.constant 0 : index
    %get3A_11 = arith.constant 0 : index
    %get3A_12 = arith.constant 0 : index
    %get3A_13 = vector.load %arg4[%get3A_10, %get3A_11, %get3A_12] : memref<2x5000x16xf32, #tpu.memory_space<vmem>>, vector<1x5000x1xf32>
    %get3A_14 = vector.shape_cast %get3A_13 : vector<1x5000x1xf32> to vector<5000x1xf32>
    %get3A_15 = arith.constant 1 : index
    %get3A_16 = arith.constant 0 : index
    %get3A_17 = arith.constant 0 : index
    %get3A_18 = vector.load %arg4[%get3A_15, %get3A_16, %get3A_17] : memref<2x5000x16xf32, #tpu.memory_space<vmem>>, vector<1x5000x1xf32>
    %get3A_19 = vector.shape_cast %get3A_18 : vector<1x5000x1xf32> to vector<5000x1xf32>
    %add3A = arith.addf %get3A_14, %get3A_19 : vector<5000x1xf32>
    %add3A_20 = arith.constant 1.000000e+00 : f32
    %add3A_21 = vector.broadcast %add3A_20 : f32 to vector<5000x1xf32>
    %add3A_22 = arith.addf %add3A, %add3A_21 : vector<5000x1xf32>
    %rsqrt3A = math.rsqrt %add3A_22 : vector<5000x1xf32>
    %get3A_23 = arith.constant 0 : index
    %get3A_24 = arith.constant 0 : index
    %get3A_25 = arith.constant 0 : index
    %get3A_26 = vector.load %arg3[%get3A_23, %get3A_24, %get3A_25] : memref<2x5000x128xf32, #tpu.memory_space<vmem>>, vector<1x5000x128xf32>
    %get3A_27 = vector.shape_cast %get3A_26 : vector<1x5000x128xf32> to vector<5000x128xf32>
    %get3A_28 = arith.constant 1 : index
    %get3A_29 = arith.constant 0 : index
    %get3A_30 = arith.constant 0 : index
    %get3A_31 = vector.load %arg3[%get3A_28, %get3A_29, %get3A_30] : memref<2x5000x128xf32, #tpu.memory_space<vmem>>, vector<1x5000x128xf32>
    %get3A_32 = vector.shape_cast %get3A_31 : vector<1x5000x128xf32> to vector<5000x128xf32>
    %add3A_33 = arith.addf %get3A_27, %get3A_32 : vector<5000x128xf32>
    %mul3A = arith.mulf %rsqrt3A, %rsqrt3A : vector<5000x1xf32>
    %get3A_34 = arith.constant 0 : index
    %get3A_35 = arith.constant 0 : index
    %get3A_36 = vector.load %arg2[%get3A_34, %get3A_35] : memref<5000x128xf32, #tpu.memory_space<vmem>>, vector<5000x128xf32>
    %mul3A_37 = vector.broadcast %mul3A : vector<5000x1xf32> to vector<5000x128xf32>
    %mul3A_38 = arith.mulf %mul3A_37, %get3A_36 : vector<5000x128xf32>
    %mul3A_39 = vector.broadcast %rsqrt3A : vector<5000x1xf32> to vector<5000x128xf32>
    %mul3A_40 = arith.mulf %mul3A_39, %add3A_33 : vector<5000x128xf32>
    %add3A_41 = arith.addf %mul3A_38, %mul3A_40 : vector<5000x128xf32>
    %max3A_42 = arith.constant 0.000000e+00 : f32
    %max3A_43 = vector.broadcast %max3A_42 : f32 to vector<5000x128xf32>
    %max3A_44 = arith.maximumf %add3A_41, %max3A_43 : vector<5000x128xf32>
    %dot_general3A_45 = arith.constant dense<0.000000e+00> : vector<5000x128xf32>
    %dot_general3A_46 = tpu.matmul %max3A_44, %get3A_1, %dot_general3A_45 {dimension_numbers = #tpu.dot_dimension_numbers<[1], [0], [0], [1], [0, 0, 1, 1], [], []>, precision = #tpu.contract_precision<fp32>, transpose_lhs_hint = false} : vector<5000x128xf32>, vector<128x128xf32>, vector<5000x128xf32> -> vector<5000x128xf32>
    %swap3A_47 = arith.constant 0 : index
    %swap3A_48 = arith.constant 0 : index
    %swap3A_49 = vector.load %arg7[%swap3A_47, %swap3A_48] : memref<5000x128xf32, #tpu.memory_space<vmem>>, vector<5000x128xf32>
    tpu.vector_store %arg7[%swap3A_47, %swap3A_48], %dot_general3A_46 {strides = array<i32>} : memref<5000x128xf32, #tpu.memory_space<vmem>>, vector<5000x128xf32>,
    return
  }
  func.func @transform_0(%arg0: i32) -> (i32, i32) {
    %c0_i32 = arith.constant 0 : i32
    %c0_i32_0 = arith.constant 0 : i32
    %c0_i32_1 = arith.constant 0 : i32
    return %c0_i32, %c0_i32_0 : i32, i32
  }
  func.func @transform_1(%arg0: i32) -> (i32, i32) {
    %c0_i32 = arith.constant 0 : i32
    %c0_i32_0 = arith.constant 0 : i32
    %c0_i32_1 = arith.constant 0 : i32
    return %c0_i32, %c0_i32_0 : i32, i32
  }
  func.func @transform_2(%arg0: i32) -> (i32, i32, i32) {
    %c0_i32 = arith.constant 0 : i32
    %c0_i32_0 = arith.constant 0 : i32
    %c0_i32_1 = arith.constant 0 : i32
    %c0_i32_2 = arith.constant 0 : i32
    return %c0_i32, %c0_i32_0, %c0_i32_1 : i32, i32, i32
  }
  func.func @transform_3(%arg0: i32) -> (i32, i32, i32) {
    %c0_i32 = arith.constant 0 : i32
    %c0_i32_0 = arith.constant 0 : i32
    %c0_i32_1 = arith.constant 0 : i32
    %c0_i32_2 = arith.constant 0 : i32
    return %c0_i32, %c0_i32_0, %c0_i32_1 : i32, i32, i32
  }
  func.func @transform_4(%arg0: i32) -> (i32, i32) {
    %c0_i32 = arith.constant 0 : i32
    %c0_i32_0 = arith.constant 0 : i32
    %c0_i32_1 = arith.constant 0 : i32
    return %c0_i32, %c0_i32_0 : i32, i32
  }
  func.func @transform_5(%arg0: i32) -> (i32, i32) {
    %c0_i32 = arith.constant 0 : i32
    %c0_i32_0 = arith.constant 0 : i32
    %c0_i32_1 = arith.constant 0 : i32
    return %c0_i32, %c0_i32_0 : i32, i32
  }
  func.func @transform_6(%arg0: i32) -> (i32, i32) {
    %c0_i32 = arith.constant 0 : i32
    %c0_i32_0 = arith.constant 0 : i32
    %c0_i32_1 = arith.constant 0 : i32
    return %c0_i32, %c0_i32_0 : i32, i32
  }
}

</mosaic_0001>

<sc_bundles>
// kernel: _impl.6.cloned.1.call-start
scs
__scs_entry_jumppad:
0x0: {  	(pc) =	sbr.rel $0x88, $3  }
0x1: {  	(tag) =	ssettag $0x0;
	lr =	simm.s32 $0x1  }
0x2: {  	[smem:$0x3F9C] =	sst lr;
	_ =	strace $0xD0000000  }
0x3: {  	_ = 	snop  }
0x4: {  	_ = 	snop  }
0x5: {  	_ = 	snop  }
0x6: {  	_ = 	snop  }
0x7: {  	_ = 	snop  }
__scs_overlays_trampoline_lowered:
0x8: {  	[smem:$0x3FAB] =	sst s0  }
0x9: {  	[smem:$0x3FAC] =	sst s1  }
0xa: {  	[smem:$0x3FAD] =	sst s2  }
0xb: {  	[smem:$0x3FAE] =	sst s3  }
0xc: {  	[smem:$0x3FAF] =	sst s4  }
0xd: {  	[smem:$0x3FB0] =	sst s5  }
0xe: {  	[smem:$0x3FB1] =	sst s6  }
0xf: {  	[smem:$0x3FB2] =	sst s7  }
0x10: {  	[smem:$0x3FB3] =	sst s8  }
0x11: {  	[smem:$0x3FB4] =	sst s9;
	s0 =	simm.s32 @!p0 $0x0  }
0x12: {  	s1 =	sld [smem:$0x3F9A];
	s0 =	simm.s32 @p0 $0x1  }
0x13: {  	[smem:$0x3FB5] =	sst s0;
	s0 =	simm.s32 @!p1 $0x0  }
0x14: {  	s2 =	sld [smem:$0x3F99];
	s0 =	simm.s32 @p1 $0x1  }
0x15: {  	[smem:$0x3FB6] =	sst s0;
	s0 =	simm.s32 @!p2 $0x0  }
0x16: {  	s3 =	sld [smem:$0x3FDB];
	s0 =	simm.s32 @p2 $0x1  }
0x17: {  	s4 =	simm.s32 $0x1BF5;
	[smem:$0x3FB8] =	sst s0  }
0x18: {  	s0 =	sld [smem:$0x3F9B];
	_ =	swait.ge [sflag:s4], $0x0  }
0x19: {  	s7 =	sld [smem:$0x3F9C]  }
0x1a: {  	s8 =	sadd.s32 $0xFFFFE003, lr  }
0x1b: {  	s9 =	sadd.s32 $0xFFFFFEF7, lr;
	s5 =	simm.s32 $0xFFFFFFFF;
	p2 =	slt.u32 s8, $0xFFFFF086  }
0x1c: {  	p1 =	slt.u32 s9, $0xF7A;
	s5 =	simm.s32 @!p2 $0x0  }
0x1d: {  	s5 =	simm.s32 @p1 $0x1;
	p0 =	seq.s32 s7, s2  }
0x1e: {  	s7 =	smul.u32 @!p0 $0xF7A, s2;
	p2 =	seq.s32 @!p0 s5, $0x0  }
0x1f: {  	s9 =	smul.u32 $0xF7A, s1;
	s8 =	simm.s32 @!p0 $0x1BF5;
	p2 =	por !p2, p0  }
0x20: {  	[sflag:s8] =	ssyncset.s32 @!p0 $0xFFFFF086;
	s6 =	sadd.s32 @!p0 s3, s7;
	s7 =	simm.s32 @!p0 $0x108  }
0x21: {  	s3 =	sadd.s32 s3, s9;
	s6 =	sadd.s32 @!p0 $0x88, s6;
	s7 =	simm.s32 @p2 $0x1082  }
0x22: {  	[simem:s7], [sflag:s8] =	dma.local @!p0 [hbm:s6], $0xF7A  }
0x23: {  	s9 =	sor.u32 $0xD0000000, s2;
	s6 =	simm.s32 $0x108;
	_ =	swait.ge @!p0 [sflag:s8], $0x0  }
0x24: {  	s3 =	sadd.s32 $0x88, s3;
	s6 =	simm.s32 @!p1 $0x1082;
	[sflag:s4] =	ssyncset.s32 $0xFFFFF086  }
0x25: {  	[simem:s6], [sflag:s4] =	dma.local [hbm:s3], $0xF7A  }
0x26: {  	[smem:$0x3F9C] =	sst s1;
	(tag) =	ssettag s2;
	_ =	strace s9  }
0x27: {  	s1 =	sld [smem:$0x3FAC]  }
0x28: {  	s2 =	sld [smem:$0x3FAD]  }
0x29: {  	s4 =	sld [smem:$0x3FAF]  }
0x2a: {  	p0 =	seq.s32 s5, $0x0;
	s5 =	sld [smem:$0x3FB0]  }
0x2b: {  	s6 =	sld [smem:$0x3FB1]  }
0x2c: {  	s7 =	sld [smem:$0x3FB2]  }
0x2d: {  	s3 =	simm.s32 $0x108;
	s8 =	sld [smem:$0x3FB3]  }
0x2e: {  	s3 =	simm.s32 @!p0 $0x1082;
	s9 =	sld [smem:$0x3FB4]  }
0x2f: {  	lr =	sadd.s32 s0, s3;
	s0 =	sld [smem:$0x3FAB]  }
0x30: {  	s3 =	sld [smem:$0x3FAE]  }
0x31: {  	[smem:$0x3FB7] =	sst s10  }
0x32: {  	s10 =	sld [smem:$0x3FB5];
	_ =	sdelay $0x3  }
0x33: {  	p0 =	seq.s32 s10, $0x1;
	s10 =	sld [smem:$0x3FB7];
	_ =	sdelay $0x3  }
0x34: {  	[smem:$0x3FB7] =	sst s10  }
0x35: {  	s10 =	sld [smem:$0x3FB6];
	_ =	sdelay $0x3  }
0x36: {  	p1 =	seq.s32 s10, $0x1;
	s10 =	sld [smem:$0x3FB7];
	_ =	sdelay $0x3  }
0x37: {  	[smem:$0x3FB7] =	sst s10  }
0x38: {  	s10 =	sld [smem:$0x3FB8]  }
0x39: {  	_ = 	snop;
	(pc) =	sbr.ind lr, $3  }
0x3a: {  	_ = 	snop  }
0x3b: {  	_ = 	snop  }
0x3c: {  	p2 =	seq.s32 s10, $0x1;
	s10 =	sld [smem:$0x3FB7]  }
0x3d: {  	_ =	shalt  }
0x3e: {  	_ =	shalt  }
0x3f: {  	_ =	shalt  }
0x40: {  	_ =	shalt  }
0x41: {  	_ =	shalt  }
0x42: {  	_ =	shalt  }
0x43: {  	_ =	shalt  }
0x44: {  	_ =	shalt  }
0x45: {  	_ =	shalt  }
0x46: {  	_ =	shalt  }
0x47: {  	_ =	shalt  }
0x48: {  	_ =	shalt  }
0x49: {  	_ =	shalt  }
0x4a: {  	_ =	shalt  }
0x4b: {  	_ =	shalt  }
0x4c: {  	_ =	shalt  }
0x4d: {  	_ =	shalt  }
0x4e: {  	_ =	shalt  }
0x4f: {  	_ =	shalt  }
0x50: {  	_ =	shalt  }
0x51: {  	_ =	shalt  }
0x52: {  	_ =	shalt  }
0x53: {  	_ =	shalt  }
0x54: {  	_ =	shalt  }
0x55: {  	_ =	shalt  }
0x56: {  	_ =	shalt  }
0x57: {  	_ =	shalt  }
0x58: {  	_ =	shalt  }
0x59: {  	_ =	shalt  }
0x5a: {  	_ =	shalt  }
0x5b: {  	_ =	shalt  }
0x5c: {  	_ =	shalt  }
0x5d: {  	_ =	shalt  }
0x5e: {  	_ =	shalt  }
0x5f: {  	_ =	shalt  }
0x60: {  	_ =	shalt  }
0x61: {  	_ =	shalt  }
0x62: {  	_ =	shalt  }
0x63: {  	_ =	shalt  }
0x64: {  	_ =	shalt  }
0x65: {  	_ =	shalt  }
0x66: {  	_ =	shalt  }
0x67: {  	_ =	shalt  }
0x68: {  	_ =	shalt  }
0x69: {  	_ =	shalt  }
0x6a: {  	_ =	shalt  }
0x6b: {  	_ =	shalt  }
0x6c: {  	_ =	shalt  }
0x6d: {  	_ =	shalt  }
0x6e: {  	_ =	shalt  }
0x6f: {  	_ =	shalt  }
0x70: {  	_ =	shalt  }
0x71: {  	_ =	shalt  }
0x72: {  	_ =	shalt  }
0x73: {  	_ =	shalt  }
0x74: {  	_ =	shalt  }
0x75: {  	_ =	shalt  }
0x76: {  	_ =	shalt  }
0x77: {  	_ =	shalt  }
0x78: {  	_ =	shalt  }
0x79: {  	_ =	shalt  }
0x7a: {  	_ =	shalt  }
0x7b: {  	_ =	shalt  }
0x7c: {  	_ =	shalt  }
0x7d: {  	_ =	shalt  }
0x7e: {  	_ =	shalt  }
0x7f: {  	_ =	shalt  }
0x80: {  	_ =	shalt  }
0x81: {  	_ =	shalt  }
0x82: {  	_ =	shalt  }
0x83: {  	_ =	shalt  }
0x84: {  	_ =	shalt  }
0x85: {  	_ =	shalt  }
0x86: {  	_ =	shalt  }
0x87: {  	_ =	shalt  }
.Lfunc_end0:
.L_simem_size_0:
called_computation_lowered:
.L_overlay_start_0:
0x88: {  	s2 =	sld [smem:$0x3FD9]  }
0x89: {  	s3 =	sld [smem:$0x3FFE];
	_ =	sdelay $0x1  }
0x8a: {  	s1 =	srdreg.scid  }
0x8b: {  	s0 =	sand.u32 $0x1, s1  }
0x8c: {  	s17 =	sshll.u32 s0, $0xA;
	s2 =	sadd.s32 s3, s2  }
0x8d: {  	s2 =	sadd.s32 s2, s17  }
0x8e: {  	[smem:$0x3FC3] =	sst s2  }
0x8f: {  	_ = 	snop  }
0x90: {  	(tm) =	ssettm $0x1  }
0x91: {  	s18 =	sld [smem:$0x3FFB];
	_ =	sdelay $0x3  }
0x92: {  	_ =	strace s18  }
0x93: {  	s2 =	sld [smem:$0x3FFC];
	_ =	sdelay $0x3  }
0x94: {  	_ =	strace s2  }
0x95: {  	s2 =	sld [smem:$0x3FFD];
	_ =	sdelay $0x3  }
0x96: {  	_ =	strace s2  }
0x97: {  	_ =	strace $0x8FFFFFFF  }
0x98: {  	s19 =	sld [smem:$0x3FDB];
	_ =	sdelay $0x1  }
0x99: {  	s20 =	simm.s32 $_scs_section_size  }
0x9a: {  	s4 =	simm.s32 $_size__tile_overlayer_lowered;
	s5 =	simm.s32 $_tile_overlayer_lowered  }
0x9b: {  	s6 =	simm.s32 $0x1BFF;
	s21 =	sshll.u32 s5, $0x1;
	s3 =	sadd.s32 s20, s19  }
0x9c: {  	s22 =	simm.s32 $0x0;
	s4 =	sshll.u32 s4, $0x1;
	s5 =	sadd.s32 s21, s3  }
0x9d: {  	[timem:s22], [sflag:s6] =	dma.local [hbm:s5], s4  }
0x9e: {  	_ =	swait.ge [sflag:s6], s4  }
0x9f: {  	s4 =	ssub.s32 $0x0, s4;
	[sflag:s6] =	ssyncset.done $0x0  }
0xa0: {  	[sflag:s6] =	ssyncadd.s32 s4;
	_ =	sdelay $0x1  }
0xa1: {  	s23 =	simm.s32 $0x1B8B  }
0xa2: {  	_ =	swait.ge [sflag:s23], $0x1  }
0xa3: {  	[sflag:s23] =	ssyncset.done $0x0  }
0xa4: {  	[sflag:s23] =	ssyncadd.s32 $0xFFFFFFFF  }
0xa5: {  	s4 =	sld [smem:$0x0]  }
0xa6: {  	s5 =	sand.u32 $0xFFFFFFFE, s1  }
0xa7: {  	p0 =	sne.s32 s1, s5  }
0xa8: {  	s5 =	sshll.u32 @p0 s5, $0xE  }
0xa9: {  	s5 =	sadd.s32 @p0 $0x11B8D, s5;
	s6 =	sshll.u32 @p0 s4, $0x11  }
0xaa: {  	s5 =	sor.u32 @p0 s6, s5  }
0xab: {  	[sflag:s5] =	ssyncadd.remote.s32 @p0 $0x1;
	_ =	sdelay $0x1  }
0xac: {  	s5 =	simm.s32 @p0 $0x1B8D  }
0xad: {  	_ =	swait.eq @p0 [sflag:s5], $0x1  }
0xae: {  	[sflag:s5] =	ssyncadd.s32 @p0 $0xFFFFFFFF  }
0xaf: {  	s6 =	sshll.u32 @!p0 s1, $0xE  }
0xb0: {  	s6 =	sor.u32 @!p0 $0x4000, s6;
	s5 =	simm.s32 @!p0 $0x1B8D  }
0xb1: {  	s4 =	sshll.u32 @!p0 s4, $0x11;
	s6 =	sadd.s32 @!p0 $0x11B8D, s6;
	_ =	swait.eq @!p0 [sflag:s5], $0x1  }
0xb2: {  	s4 =	sor.u32 @!p0 s4, s6;
	[sflag:s5] =	ssyncadd.s32 @!p0 $0xFFFFFFFF  }
0xb3: {  	s25 =	simm.s32 $0x1B8E;
	s24 =	sld [smem:$0x3FFE];
	[sflag:s4] =	ssyncadd.remote.s32 @!p0 $0x1  }
0xb4: {  	s26 =	simm.s32 $execute0_lowered;
	[smem:$0x3FD2] =	sst s25  }
0xb5: {  	s5 =	sshll.u32 s26, $0x1;
	_ =	strace $0x80000049;
	[dreg:$0x1] =	wrdreg $0xFFFFFFFF  }
0xb6: {  	s28 =	simm.s32 $_size_execute0_lowered;
	s3 =	sadd.s32 s3, s5;
	[dreg:$0x0] =	wrdreg $0x0  }
0xb7: {  	s5 =	sshll.u32 s28, $0x1;
	[dreg:$0x2] =	wrdreg s3  }
0xb8: {  	[dreg:$0x3] =	wrdreg s5  }
0xb9: {  	[dreg:$0x4] =	wrdreg $0xC0  }
0xba: {  	_ =	task [dreg:s22], $0x5FFFF  }
0xbb: {  	[dreg:$0x1] =	wrdreg $0xFFFFFFFF  }
0xbc: {  	[dreg:$0x0] =	wrdreg $0x60  }
0xbd: {  	[dreg:$0x2] =	wrdreg s24  }
0xbe: {  	[dreg:$0x3] =	wrdreg $0x0  }
0xbf: {  	[dreg:$0x4] =	wrdreg $0x9  }
0xc0: {  	_ =	task.clear_ibuf [dreg:s22], $0x5FFFF;
	_ =	strace $0x90000049  }
0xc1: {  	s29 =	simm.s32 $0x9;
	_ =	strace $0x8000004B  }
0xc2: {  	_ =	swait.ge [sflag:s29], $0x1  }
0xc3: {  	[sflag:s29] =	ssyncadd.s32 $0xFFFFFFFF  }
0xc4: {  	_ =	strace $0x9000004B  }
0xc5: {  	_ =	sfence  }
0xc6: {  	s30 =	sld [smem:$0x0];
	_ =	sdelay $0x2  }
0xc7: {  	s31 =	sshll.u32 s1, $0xD;
	s1 =	sshrl.u32 s1, $0x2  }
0xc8: {  	s4 =	sand.u32 $0x4000, s31;
	s1 =	sadd.s32 s1, s30  }
0xc9: {  	s0 =	sor.u32 s4, s0;
	s1 =	sshll.u32 s1, $0x11  }
0xca: {  	s0 =	sor.u32 s1, s0  }
0xcb: {  	s0 =	sadd.s32 $0x8F2B, s0  }
0xcc: {  	[sflag:s0] =	ssyncadd.remote.s32 $0x1  }
0xcd: {  	_ =	sfence.sel $0xFFFF  }
0xce: {  	[dreg:$0x0] =	wrdreg $0xFFFFFFFF;
	(pc) =	sbr.abs _section_cstart, $3  }
0xcf: {  	[dreg:$0x1] =	wrdreg $0xFFFFFFFF  }
0xd0: {  	_ =	task.clear_ibuf [dreg:s22], $0x2FFFF;
	_ =	strace $0x9FFFFFFF  }
0xd1: {  	(tm) =	ssettm $0x7FFFFFFF  }
tec
execute0_lowered:
.L_overlay_start_1:
0x0: {  	(tag) =	ssettag $0x1  }
0x1: {  	s0 =	srdreg.scid;
	s5 =	rddreg [dreg:$0x0]  }
0x2: {  	s2 =	rddreg [dreg:$0x1];
	s3 =	simm.s32 $0x0;
	s10 =	simm.s32 $0x1  }
0x3: {  	s11 =	simm.s32 $0x1800;
	s4 =	sand.u32 $0x1, s0;
	s0 =	stileid.u32  }
0x4: {  	s12 =	simm.s32 $0x80;
	[smem:$0x7FF] =	sst s3;
	s7 =	smul.u32 $0x28000, s0  }
0x5: {  	s1 =	sshll.u32 s4, $0x4;
	s8 =	smul.u32 $0x14000, s4;
	s9 =	ssub.s32 $0x2, s4  }
0x6: {  	s14 =	smul.u32 $0x1400, s0;
	s15 =	sshll.u32 s0, $0x6;
	s6 =	sor.u32 s0, s1  }
0x7: {  	s1 =	rddreg [dreg:$0x2];
	_ =	strace $0x8000004A;
	s30 =	sshrl.u32 s9, $0x1  }
0x8: {  	s6 =	smul.u32 $0x500, s6;
	s28 =	sshrl.u32 s7, $0x2;
	s29 =	sadd.s32 s8, s5  }
0x9: {  	s31 =	ssub.s32 s9, s30;
	s9 =	simm.s32 $0x4000;
	s4 =	sadd.s32 s28, s2  }
0xa: {  	s13 =	sadd.s32 $0x3D000, s29;
	s7 =	smax.u32 s31, $0x1;
	s6 =	sadd.s32 s6, s5  }
0xb: {  	s5 =	sadd.s32 $0x8000, s4;
	s8 =	sadd.s32 $0x4000, s4;
	s13 =	sadd.s32 s14, s13  }
0xc: {  	v0 =	vimm.f32 $0.0e+00;
	v1 =	vimm.f32 $1.000000000e+00;
	s14 =	sor.u32 $0x1C01, s15;
	s15 =	sshrl.u32 s4, $0x3;
	s6 =	sadd.s32 $0x33000, s6  }
.LBB2_1:
0xd: {  	s16 =	simm.s32 $0x200;
	s17 =	simm.s32 $0x0  }
.LBB2_2:
0xe: {  	p0 =	sne.s32 s16, $0xFE00;
	[tilespmem:s17+$0x4000] =	vst v0;
	s17 =	smov.u32 s16;
	s16 =	sadd.s32 $0x200, s16  }
.Ltmp0:
0xf: {  	(pc) =	sbr.rel @p0 .LBB2_2-.Ltmp0, $2  }
0x10: {  	_ =	sdelay $0x2  }
0x11: {  	s17 =	sshra.s32 s17, $0x2  }
0x12: {  	[tilespmem:s17+$0x4000] =	vst v0  }
0x13: {  	[spmem:s4] =	stream.linear.scatter [tilespmem:s9], [sflag:$0x1], $0x4000, $0x38;
	[tilespmem:$0x8000] =	vst v63  }
0x14: {  	_ =	swait.ge [sflag:s10], $0x4000  }
0x15: {  	[sflag:s10] =	ssyncset.done $0x0  }
0x16: {  	[sflag:s10] =	ssyncadd.s32 $0xFFFFC000  }
0x17: {  	[spmem:s8] =	stream.linear.scatter [tilespmem:s9], [sflag:$0x1], $0x4000, $0x38;
	[tilespmem:$0x8000] =	vst v63  }
0x18: {  	_ =	swait.ge [sflag:s10], $0x4000  }
0x19: {  	[sflag:s10] =	ssyncset.done $0x0  }
0x1a: {  	[sflag:s10] =	ssyncadd.s32 $0xFFFFC000  }
0x1b: {  	[spmem:s5] =	stream.linear.scatter [tilespmem:s9], [sflag:$0x1], $0x2000, $0x38;
	[tilespmem:$0x8000] =	vst v63  }
0x1c: {  	_ =	swait.ge [sflag:s10], $0x2000  }
0x1d: {  	[sflag:s10] =	ssyncset.done $0x0  }
0x1e: {  	s16 =	simm.s32 $0x200;
	s17 =	simm.s32 $0x0;
	[sflag:s10] =	ssyncadd.s32 $0xFFFFE000  }
.LBB2_4:
0x1f: {  	p0 =	sne.s32 s16, $0xFE00;
	[tilespmem:s17+$0x4000] =	vst v1;
	s17 =	smov.u32 s16;
	s16 =	sadd.s32 $0x200, s16  }
.Ltmp1:
0x20: {  	(pc) =	sbr.rel @p0 .LBB2_4-.Ltmp1, $2  }
0x21: {  	_ =	sdelay $0x2  }
0x22: {  	s17 =	sshra.s32 s17, $0x2  }
0x23: {  	[tilespmem:s17+$0x4000] =	vst v1;
	s16 =	simm.s32 $0x0  }
0x24: {  	[tilespmem:s11], [sflag:$0x1] =	stream.linear.gather [hbm4b:s6+s16], $0x2800, $0x38;
	[tilespmem:$0x8000] =	vst v63  }
0x25: {  	_ =	swait.ge [sflag:s10], $0x2800  }
0x26: {  	[sflag:s10] =	ssyncset.done $0x0  }
0x27: {  	[sflag:s10] =	ssyncadd.s32 $0xFFFFD800  }
0x28: {  	s31 =	simm.s32 $0x1800;
	[bflag:$0x0] =	sbarrier.arrive $0xFFFF  }
0x29: {  	[spmem:s2] =	stream.indirect.scatter.add.f32 [tilespmem:s9], [sflag:$0x1], $0x10, s31, s12, $0xb8;
	[tilespmem:$0x8000] =	vst v63  }
0x2a: {  	s16 =	simm.s32 $0x200;
	_ =	swait.ge [sflag:s10], $0x800  }
.LBB2_6:
0x2b: {  	s17 =	sshra.s32 s16, $0x2;
	[sflag:s10] =	ssyncset.done $0x0;
	p0 =	sne.s32 s16, $0x9E00  }
.Ltmp2:
0x2c: {  	s17 =	sadd.s32 $0x1800, s17;
	[sflag:s10] =	ssyncadd.s32 $0xFFFFF800;
	(pc) =	sbr.rel @p0 .LBB2_6-.Ltmp2, $3  }
0x2d: {  	[spmem:s2] =	stream.indirect.scatter.add.f32 [tilespmem:s9], [sflag:$0x1], $0x10, s17, s12, $0xb8;
	[tilespmem:$0x8000] =	vst v63  }
0x2e: {  	s16 =	sadd.s32 $0x200, s16;
	_ =	sdelay $0x1  }
0x2f: {  	_ =	swait.ge [sflag:s10], $0x800  }
0x30: {  	[sflag:s10] =	ssyncset.done $0x0;
	s3 =	sadd.s32 $0x1, s3  }
0x31: {  	[sflag:s10] =	ssyncadd.s32 $0xFFFFF800;
	p0 =	sne.s32 s3, s7  }
.Ltmp3:
0x32: {  	[bflag:$0x0] =	sbarrier.arrive $0xFFFF;
	(pc) =	sbr.rel @p0 .LBB2_1-.Ltmp3, $4  }
0x33: {  	[hbm:s13], [sflag:s14] =	dma.local [spmem:s15], $0x1400  }
0x34: {  	_ =	swait.ge [sflag:s10], $0x1400  }
0x35: {  	[sflag:s10] =	ssyncset.done $0x0  }
0x36: {  	[sflag:s10] =	ssyncadd.s32 $0xFFFFEC00  }
0x37: {  	_ =	sfence.sel $0x180000  }
0x38: {  	[bflag:$0x0] =	sbarrier.arrive $0xFFFF  }
0x39: {  	p0 =	sne.s32 s0, $0x0;
	_ =	strace $0x9000004A  }
0x3a: {  	s0 =	sadd.s32 @!p0 $0x100000, s1;
	[bflag:$0x2] =	sbarrier.arrive $0xFFFF  }
0x3b: {  	[sflag:s0] =	ssyncadd.tile.s32 @!p0 $0x1;
	_ =	shalt  }
.Lfunc_end2:
_tile_overlayer_lowered:
.L_overlay_start_2:
0x3c: {  	(tag) =	ssettag $0x2  }
0x3d: {  	s0 =	rddreg [dreg:$0x0];
	s2 =	stileid.u32  }
0x3e: {  	s1 =	rddreg [dreg:$0x1];
	p0 =	sne.s32 s2, $0x0  }
0x3f: {  	s3 =	rddreg [dreg:$0x2];
	[bflag:$0x3] =	sbarrier.arrive $0xFFFF;
	s2 =	simm.s32 @!p0 $0x1C01  }
0x40: {  	[timem:s3], [sflag:s2] =	dma.local @!p0 [hbm:s0], s1  }
0x41: {  	s0 =	simm.s32 @!p0 $0x1  }
0x42: {  	_ =	swait.ge @!p0 [sflag:s0], s1  }
0x43: {  	s1 =	ssub.s32 @!p0 $0x0, s1;
	[sflag:s0] =	ssyncset.done @!p0 $0x0  }
0x44: {  	[sflag:s0] =	ssyncadd.s32 @!p0 s1  }
0x45: {  	[bflag:$0x3] =	sbarrier.arrive $0xFFFF  }
0x46: {  	_ =	shalt  }

// kernel: _impl.9.cloned.1.call-start
scs
__scs_entry_jumppad:
0x0: {  	(pc) =	sbr.rel $0x88, $3  }
0x1: {  	(tag) =	ssettag $0x0;
	lr =	simm.s32 $0x1  }
0x2: {  	[smem:$0x3F9C] =	sst lr;
	_ =	strace $0xD0000000  }
0x3: {  	_ = 	snop  }
0x4: {  	_ = 	snop  }
0x5: {  	_ = 	snop  }
0x6: {  	_ = 	snop  }
0x7: {  	_ = 	snop  }
__scs_overlays_trampoline_lowered:
0x8: {  	[smem:$0x3FAB] =	sst s0  }
0x9: {  	[smem:$0x3FAC] =	sst s1  }
0xa: {  	[smem:$0x3FAD] =	sst s2  }
0xb: {  	[smem:$0x3FAE] =	sst s3  }
0xc: {  	[smem:$0x3FAF] =	sst s4  }
0xd: {  	[smem:$0x3FB0] =	sst s5  }
0xe: {  	[smem:$0x3FB1] =	sst s6  }
0xf: {  	[smem:$0x3FB2] =	sst s7  }
0x10: {  	[smem:$0x3FB3] =	sst s8  }
0x11: {  	[smem:$0x3FB4] =	sst s9;
	s0 =	simm.s32 @!p0 $0x0  }
0x12: {  	s1 =	sld [smem:$0x3F9A];
	s0 =	simm.s32 @p0 $0x1  }
0x13: {  	[smem:$0x3FB5] =	sst s0;
	s0 =	simm.s32 @!p1 $0x0  }
0x14: {  	s2 =	sld [smem:$0x3F99];
	s0 =	simm.s32 @p1 $0x1  }
0x15: {  	[smem:$0x3FB6] =	sst s0;
	s0 =	simm.s32 @!p2 $0x0  }
0x16: {  	s3 =	sld [smem:$0x3FDB];
	s0 =	simm.s32 @p2 $0x1  }
0x17: {  	s4 =	simm.s32 $0x1BF5;
	[smem:$0x3FB8] =	sst s0  }
0x18: {  	s0 =	sld [smem:$0x3F9B];
	_ =	swait.ge [sflag:s4], $0x0  }
0x19: {  	s7 =	sld [smem:$0x3F9C]  }
0x1a: {  	s8 =	sadd.s32 $0xFFFFE003, lr  }
0x1b: {  	s9 =	sadd.s32 $0xFFFFFEF7, lr;
	s5 =	simm.s32 $0xFFFFFFFF;
	p2 =	slt.u32 s8, $0xFFFFF086  }
0x1c: {  	p1 =	slt.u32 s9, $0xF7A;
	s5 =	simm.s32 @!p2 $0x0  }
0x1d: {  	s5 =	simm.s32 @p1 $0x1;
	p0 =	seq.s32 s7, s2  }
0x1e: {  	s7 =	smul.u32 @!p0 $0xF7A, s2;
	p2 =	seq.s32 @!p0 s5, $0x0  }
0x1f: {  	s9 =	smul.u32 $0xF7A, s1;
	s8 =	simm.s32 @!p0 $0x1BF5;
	p2 =	por !p2, p0  }
0x20: {  	[sflag:s8] =	ssyncset.s32 @!p0 $0xFFFFF086;
	s6 =	sadd.s32 @!p0 s3, s7;
	s7 =	simm.s32 @!p0 $0x108  }
0x21: {  	s3 =	sadd.s32 s3, s9;
	s6 =	sadd.s32 @!p0 $0x88, s6;
	s7 =	simm.s32 @p2 $0x1082  }
0x22: {  	[simem:s7], [sflag:s8] =	dma.local @!p0 [hbm:s6], $0xF7A  }
0x23: {  	s9 =	sor.u32 $0xD0000000, s2;
	s6 =	simm.s32 $0x108;
	_ =	swait.ge @!p0 [sflag:s8], $0x0  }
0x24: {  	s3 =	sadd.s32 $0x88, s3;
	s6 =	simm.s32 @!p1 $0x1082;
	[sflag:s4] =	ssyncset.s32 $0xFFFFF086  }
0x25: {  	[simem:s6], [sflag:s4] =	dma.local [hbm:s3], $0xF7A  }
0x26: {  	[smem:$0x3F9C] =	sst s1;
	(tag) =	ssettag s2;
	_ =	strace s9  }
0x27: {  	s1 =	sld [smem:$0x3FAC]  }
0x28: {  	s2 =	sld [smem:$0x3FAD]  }
0x29: {  	s4 =	sld [smem:$0x3FAF]  }
0x2a: {  	p0 =	seq.s32 s5, $0x0;
	s5 =	sld [smem:$0x3FB0]  }
0x2b: {  	s6 =	sld [smem:$0x3FB1]  }
0x2c: {  	s7 =	sld [smem:$0x3FB2]  }
0x2d: {  	s3 =	simm.s32 $0x108;
	s8 =	sld [smem:$0x3FB3]  }
0x2e: {  	s3 =	simm.s32 @!p0 $0x1082;
	s9 =	sld [smem:$0x3FB4]  }
0x2f: {  	lr =	sadd.s32 s0, s3;
	s0 =	sld [smem:$0x3FAB]  }
0x30: {  	s3 =	sld [smem:$0x3FAE]  }
0x31: {  	[smem:$0x3FB7] =	sst s10  }
0x32: {  	s10 =	sld [smem:$0x3FB5];
	_ =	sdelay $0x3  }
0x33: {  	p0 =	seq.s32 s10, $0x1;
	s10 =	sld [smem:$0x3FB7];
	_ =	sdelay $0x3  }
0x34: {  	[smem:$0x3FB7] =	sst s10  }
0x35: {  	s10 =	sld [smem:$0x3FB6];
	_ =	sdelay $0x3  }
0x36: {  	p1 =	seq.s32 s10, $0x1;
	s10 =	sld [smem:$0x3FB7];
	_ =	sdelay $0x3  }
0x37: {  	[smem:$0x3FB7] =	sst s10  }
0x38: {  	s10 =	sld [smem:$0x3FB8]  }
0x39: {  	_ = 	snop;
	(pc) =	sbr.ind lr, $3  }
0x3a: {  	_ = 	snop  }
0x3b: {  	_ = 	snop  }
0x3c: {  	p2 =	seq.s32 s10, $0x1;
	s10 =	sld [smem:$0x3FB7]  }
0x3d: {  	_ =	shalt  }
0x3e: {  	_ =	shalt  }
0x3f: {  	_ =	shalt  }
0x40: {  	_ =	shalt  }
0x41: {  	_ =	shalt  }
0x42: {  	_ =	shalt  }
0x43: {  	_ =	shalt  }
0x44: {  	_ =	shalt  }
0x45: {  	_ =	shalt  }
0x46: {  	_ =	shalt  }
0x47: {  	_ =	shalt  }
0x48: {  	_ =	shalt  }
0x49: {  	_ =	shalt  }
0x4a: {  	_ =	shalt  }
0x4b: {  	_ =	shalt  }
0x4c: {  	_ =	shalt  }
0x4d: {  	_ =	shalt  }
0x4e: {  	_ =	shalt  }
0x4f: {  	_ =	shalt  }
0x50: {  	_ =	shalt  }
0x51: {  	_ =	shalt  }
0x52: {  	_ =	shalt  }
0x53: {  	_ =	shalt  }
0x54: {  	_ =	shalt  }
0x55: {  	_ =	shalt  }
0x56: {  	_ =	shalt  }
0x57: {  	_ =	shalt  }
0x58: {  	_ =	shalt  }
0x59: {  	_ =	shalt  }
0x5a: {  	_ =	shalt  }
0x5b: {  	_ =	shalt  }
0x5c: {  	_ =	shalt  }
0x5d: {  	_ =	shalt  }
0x5e: {  	_ =	shalt  }
0x5f: {  	_ =	shalt  }
0x60: {  	_ =	shalt  }
0x61: {  	_ =	shalt  }
0x62: {  	_ =	shalt  }
0x63: {  	_ =	shalt  }
0x64: {  	_ =	shalt  }
0x65: {  	_ =	shalt  }
0x66: {  	_ =	shalt  }
0x67: {  	_ =	shalt  }
0x68: {  	_ =	shalt  }
0x69: {  	_ =	shalt  }
0x6a: {  	_ =	shalt  }
0x6b: {  	_ =	shalt  }
0x6c: {  	_ =	shalt  }
0x6d: {  	_ =	shalt  }
0x6e: {  	_ =	shalt  }
0x6f: {  	_ =	shalt  }
0x70: {  	_ =	shalt  }
0x71: {  	_ =	shalt  }
0x72: {  	_ =	shalt  }
0x73: {  	_ =	shalt  }
0x74: {  	_ =	shalt  }
0x75: {  	_ =	shalt  }
0x76: {  	_ =	shalt  }
0x77: {  	_ =	shalt  }
0x78: {  	_ =	shalt  }
0x79: {  	_ =	shalt  }
0x7a: {  	_ =	shalt  }
0x7b: {  	_ =	shalt  }
0x7c: {  	_ =	shalt  }
0x7d: {  	_ =	shalt  }
0x7e: {  	_ =	shalt  }
0x7f: {  	_ =	shalt  }
0x80: {  	_ =	shalt  }
0x81: {  	_ =	shalt  }
0x82: {  	_ =	shalt  }
0x83: {  	_ =	shalt  }
0x84: {  	_ =	shalt  }
0x85: {  	_ =	shalt  }
0x86: {  	_ =	shalt  }
0x87: {  	_ =	shalt  }
.Lfunc_end0:
.L_simem_size_0:
called_computation.1_lowered:
.L_overlay_start_0:
0x88: {  	s2 =	sld [smem:$0x3FD9]  }
0x89: {  	s3 =	sld [smem:$0x3FFE];
	_ =	sdelay $0x1  }
0x8a: {  	s1 =	srdreg.scid  }
0x8b: {  	s0 =	sand.u32 $0x1, s1  }
0x8c: {  	s14 =	sshll.u32 s0, $0xA;
	s2 =	sadd.s32 s3, s2  }
0x8d: {  	s2 =	sadd.s32 s2, s14  }
0x8e: {  	[smem:$0x3FC3] =	sst s2  }
0x8f: {  	_ = 	snop  }
0x90: {  	s2 =	sld [smem:$0x3FD0];
	_ =	sdelay $0x2  }
0x91: {  	s15 =	simm.s32 $0xB;
	s4 =	simm.s32 $0x10  }
0x92: {  	[smem:s4], [sflag:s15] =	dma.local [hbm:s2], $0x1  }
0x93: {  	_ =	swait.eq [sflag:s15], $0x1  }
0x94: {  	[sflag:s15] =	ssyncset.done $0x0  }
0x95: {  	s16 =	sld [smem:$0x10];
	[sflag:s15] =	ssyncadd.s32 $0xFFFFFFFF  }
0x96: {  	s17 =	sld [smem:$0x11];
	(tm) =	ssettm $0x1  }
0x97: {  	s18 =	sld [smem:$0x3FFB];
	_ =	sdelay $0x3  }
0x98: {  	_ =	strace s18  }
0x99: {  	s4 =	sld [smem:$0x3FFC];
	_ =	sdelay $0x3  }
0x9a: {  	_ =	strace s4  }
0x9b: {  	s4 =	sld [smem:$0x3FFD];
	_ =	sdelay $0x3  }
0x9c: {  	_ =	strace s4  }
0x9d: {  	_ =	strace $0x8FFFFFFF  }
0x9e: {  	s19 =	sld [smem:$0x3FDB];
	_ =	sdelay $0x1  }
0x9f: {  	s5 =	simm.s32 $_scs_section_size  }
0xa0: {  	s6 =	simm.s32 $_size__tile_overlayer_lowered;
	s7 =	simm.s32 $_tile_overlayer_lowered  }
0xa1: {  	s22 =	simm.s32 $0x1BFF;
	s21 =	sshll.u32 s7, $0x1;
	s4 =	sadd.s32 s5, s19  }
0xa2: {  	s8 =	simm.s32 $0x0;
	s20 =	sshll.u32 s6, $0x1;
	s6 =	sadd.s32 s21, s4  }
0xa3: {  	[timem:s8], [sflag:s22] =	dma.local [hbm:s6], s20  }
0xa4: {  	_ =	swait.ge [sflag:s22], s20  }
0xa5: {  	s5 =	ssub.s32 $0x0, s20;
	[sflag:s22] =	ssyncset.done $0x0  }
0xa6: {  	[sflag:s22] =	ssyncadd.s32 s5;
	_ =	sdelay $0x1  }
0xa7: {  	s23 =	simm.s32 $0x1B8B  }
0xa8: {  	_ =	swait.ge [sflag:s23], $0x1  }
0xa9: {  	[sflag:s23] =	ssyncset.done $0x0  }
0xaa: {  	s25 =	simm.s32 $0x1B8E;
	s24 =	sld [smem:$0x3FFE];
	[sflag:s23] =	ssyncadd.s32 $0xFFFFFFFF  }
0xab: {  	s26 =	simm.s32 $execute0_lowered;
	[smem:$0x3FD2] =	sst s25  }
0xac: {  	s6 =	sshll.u32 s26, $0x1;
	_ =	strace $0x80000046;
	[dreg:$0x1] =	wrdreg $0xFFFFFFFF  }
0xad: {  	s28 =	simm.s32 $_size_execute0_lowered;
	s4 =	sadd.s32 s4, s6;
	[dreg:$0x0] =	wrdreg $0x0  }
0xae: {  	s6 =	sshll.u32 s28, $0x1;
	[dreg:$0x2] =	wrdreg s4  }
0xaf: {  	[dreg:$0x3] =	wrdreg s6  }
0xb0: {  	[dreg:$0x4] =	wrdreg $0xC0  }
0xb1: {  	_ =	task [dreg:s8], $0x5FFFF  }
0xb2: {  	[dreg:$0x1] =	wrdreg $0xFFFFFFFF  }
0xb3: {  	[dreg:$0x0] =	wrdreg $0x60  }
0xb4: {  	[dreg:$0x2] =	wrdreg s24  }
0xb5: {  	[dreg:$0x3] =	wrdreg s17  }
0xb6: {  	[dreg:$0x4] =	wrdreg s16  }
0xb7: {  	[dreg:$0x5] =	wrdreg $0x0  }
0xb8: {  	[dreg:$0x6] =	wrdreg $0xA  }
0xb9: {  	_ =	task.clear_ibuf [dreg:s8], $0x7FFFF;
	_ =	strace $0x90000046  }
0xba: {  	s29 =	simm.s32 $0xA;
	_ =	strace $0x80000048  }
0xbb: {  	_ =	swait.ge [sflag:s29], $0x1  }
0xbc: {  	[sflag:s29] =	ssyncadd.s32 $0xFFFFFFFF  }
0xbd: {  	_ =	strace $0x90000048  }
0xbe: {  	_ =	sfence  }
0xbf: {  	s30 =	sld [smem:$0x0];
	_ =	sdelay $0x2  }
0xc0: {  	s31 =	sshll.u32 s1, $0xD;
	s1 =	sshrl.u32 s1, $0x2  }
0xc1: {  	s3 =	sand.u32 $0x4000, s31;
	s1 =	sadd.s32 s1, s30  }
0xc2: {  	s0 =	sor.u32 s3, s0;
	s1 =	sshll.u32 s1, $0x11  }
0xc3: {  	s0 =	sor.u32 s1, s0  }
0xc4: {  	s0 =	sadd.s32 $0x8F2B, s0  }
0xc5: {  	[sflag:s0] =	ssyncadd.remote.s32 $0x1  }
0xc6: {  	_ =	sfence.sel $0xFFFF  }
0xc7: {  	[dreg:$0x0] =	wrdreg $0xFFFFFFFF;
	(pc) =	sbr.abs _section_cstart, $3  }
0xc8: {  	[dreg:$0x1] =	wrdreg $0xFFFFFFFF  }
0xc9: {  	_ =	task.clear_ibuf [dreg:s8], $0x2FFFF;
	_ =	strace $0x9FFFFFFF  }
0xca: {  	(tm) =	ssettm $0x7FFFFFFF  }
0xcb: {  	_ =	shalt  }
tec
execute0_lowered:
.L_overlay_start_1:
0x0: {  	(tag) =	ssettag $0x1  }
0x1: {  	s0 =	rddreg [dreg:$0x0]  }
0x2: {  	s3 =	rddreg [dreg:$0x1]  }
0x3: {  	s5 =	rddreg [dreg:$0x2]  }
0x4: {  	s1 =	rddreg [dreg:$0x3]  }
0x5: {  	s2 =	simm.s32 $0x0;
	s4 =	srdreg.scid;
	s10 =	stileid.u32  }
0x6: {  	s12 =	simm.s32 $0x8;
	s19 =	simm.s32 $0x1;
	s20 =	simm.s32 $0x80  }
0x7: {  	s21 =	simm.s32 $0xC000;
	s22 =	simm.s32 $0xE000;
	s28 =	simm.s32 $0x12000  }
0x8: {  	s29 =	simm.s32 $0x18000;
	s30 =	simm.s32 $0x3;
	s8 =	smul.u32 $0x28000, s10  }
0x9: {  	s31 =	simm.s32 $0x5;
	s6 =	sand.u32 $0x1, s4;
	s16 =	smul.u32 $0xA000, s10  }
0xa: {  	[smem:$0x7FF] =	sst s2;
	s4 =	sadd.s32 $0x1200, s0;
	s7 =	smul.u32 $0x14000, s6  }
0xb: {  	_ =	strace $0x80000047;
	s13 =	sshll.u32 s6, $0x4;
	s6 =	ssub.s32 $0x2, s6  }
0xc: {  	s8 =	sshrl.u32 s8, $0x2;
	s9 =	sshrl.u32 s6, $0x1;
	s17 =	sshrl.u32 s16, $0x3  }
0xd: {  	s18 =	sadd.s32 s16, s1;
	s0 =	sadd.s32 s7, s0;
	s7 =	sor.u32 s10, s13  }
0xe: {  	s11 =	sadd.s32 s8, s1;
	s6 =	ssub.s32 s6, s9;
	s26 =	sshrl.u32 s18, $0x3  }
0xf: {  	s13 =	simm.s32 $0x6;
	s14 =	smul.u32 $0x500, s7;
	[dreg:$0x5] =	wrdreg s11  }
0x10: {  	s15 =	sadd.s32 $0x8000, s11;
	s0 =	sadd.s32 $0xB000, s0;
	[dreg:$0xc] =	wrdreg s26  }
0x11: {  	s6 =	smax.u32 s6, $0x1;
	s23 =	sadd.s32 $0x4000, s11;
	[dreg:$0x6] =	wrdreg s15  }
0x12: {  	s11 =	simm.s32 $0x14000;
	s26 =	simm.s32 $0x2;
	[dreg:$0x7] =	wrdreg s6  }
0x13: {  	[dreg:$0x8] =	wrdreg s23;
	s0 =	sadd.s32 s17, s0;
	s7 =	sadd.s32 s3, s14  }
0x14: {  	s8 =	sadd.s32 s5, s14;
	[dreg:$0xb] =	wrdreg s0;
	s24 =	sadd.s32 $0x100, s7  }
0x15: {  	s0 =	simm.s32 $0x4;
	s25 =	sadd.s32 $0x100, s8;
	[dreg:$0x9] =	wrdreg s24  }
0x16: {  	v0 =	vimm.f32 $0.0e+00;
	s14 =	simm.s32 $0x0;
	[dreg:$0xa] =	wrdreg s25;
	s24 =	simm.s32 $0x10000  }
.LBB2_1:
0x17: {  	s3 =	simm.s32 $0x0;
	s5 =	simm.s32 $0x200  }
.LBB2_2:
0x18: {  	p0 =	sne.s32 s5, $0xFE00;
	[tilespmem:s3+$0x14070] =	vst v0  }
0x19: {  	[tilespmem:s3+$0x14000] =	vst v0  }
0x1a: {  	[tilespmem:s3+$0x14010] =	vst v0  }
.Ltmp0:
0x1b: {  	[tilespmem:s3+$0x14020] =	vst v0;
	(pc) =	sbr.rel @p0 .LBB2_2-.Ltmp0, $4  }
0x1c: {  	[tilespmem:s3+$0x14030] =	vst v0  }
0x1d: {  	[tilespmem:s3+$0x14040] =	vst v0  }
0x1e: {  	[tilespmem:s3+$0x14050] =	vst v0  }
0x1f: {  	[tilespmem:s3+$0x14060] =	vst v0;
	s3 =	sshra.s32 s5, $0x2;
	s5 =	sadd.s32 $0x200, s5  }
0x20: {  	[tilespmem:s3+$0x14070] =	vst v0  }
0x21: {  	[tilespmem:s3+$0x14000] =	vst v0  }
0x22: {  	[tilespmem:s3+$0x14010] =	vst v0  }
0x23: {  	[tilespmem:s3+$0x14020] =	vst v0  }
0x24: {  	[tilespmem:s3+$0x14030] =	vst v0  }
0x25: {  	[tilespmem:s3+$0x14040] =	vst v0  }
0x26: {  	[tilespmem:s3+$0x14050] =	vst v0  }
0x27: {  	[tilespmem:s3+$0x14060] =	vst v0;
	s10 =	rddreg [dreg:$0x5]  }
0x28: {  	[spmem:s10] =	stream.linear.scatter [tilespmem:s11], [sflag:$0x8], $0x4000, $0x38;
	[tilespmem:$0x1C000] =	vst v63  }
0x29: {  	_ =	swait.ge [sflag:s12], $0x4000  }
0x2a: {  	[sflag:s12] =	ssyncset.done $0x0  }
0x2b: {  	s15 =	rddreg [dreg:$0x8];
	[sflag:s12] =	ssyncadd.s32 $0xFFFFC000  }
0x2c: {  	[spmem:s15] =	stream.linear.scatter [tilespmem:s11], [sflag:$0x8], $0x4000, $0x38;
	[tilespmem:$0x1C000] =	vst v63  }
0x2d: {  	_ =	swait.ge [sflag:s12], $0x4000  }
0x2e: {  	[sflag:s12] =	ssyncset.done $0x0  }
0x2f: {  	s16 =	rddreg [dreg:$0x6];
	[sflag:s12] =	ssyncadd.s32 $0xFFFFC000  }
0x30: {  	[spmem:s16] =	stream.linear.scatter [tilespmem:s11], [sflag:$0x8], $0x2000, $0x38;
	[tilespmem:$0x1C000] =	vst v63  }
0x31: {  	_ =	swait.ge [sflag:s12], $0x2000  }
0x32: {  	[sflag:s12] =	ssyncset.done $0x0  }
0x33: {  	[sflag:s12] =	ssyncadd.s32 $0xFFFFE000  }
0x34: {  	s3 =	simm.s32 $0x0;
	s5 =	simm.s32 $0xA000;
	[bflag:$0x0] =	sbarrier.arrive $0xFFFF  }
0x35: {  	[tilespmem:s5], [sflag:$0x8] =	stream.linear.gather [hbm4b:s7+s3], $0x800, $0x38;
	[tilespmem:$0x1C000] =	vst v63  }
0x36: {  	_ =	swait.ge [sflag:s12], $0x800  }
0x37: {  	[sflag:s12] =	ssyncset.done $0x0  }
0x38: {  	s17 =	simm.s32 $0xB000;
	[sflag:s12] =	ssyncadd.s32 $0xFFFFF800  }
0x39: {  	[tilespmem:s17], [sflag:$0x8] =	stream.linear.gather [hbm4b:s8+s3], $0x800, $0x38;
	[tilespmem:$0x1C000] =	vst v63  }
0x3a: {  	_ =	swait.ge [sflag:s12], $0x800  }
0x3b: {  	[sflag:s12] =	ssyncset.done $0x0  }
0x3c: {  	s6 =	simm.s32 $0xA800;
	s18 =	rddreg [dreg:$0x9];
	[sflag:s12] =	ssyncadd.s32 $0xFFFFF800  }
0x3d: {  	[tilespmem:s6], [sflag:$0x7] =	stream.linear.gather [hbm4b:s18+s3], $0x800, $0x38;
	[tilespmem:$0x1C000] =	vst v63  }
0x3e: {  	s25 =	simm.s32 $0xB800;
	s23 =	rddreg [dreg:$0xa]  }
0x3f: {  	[tilespmem:s25], [sflag:$0x7] =	stream.linear.gather [hbm4b:s23+s3], $0x800, $0x38;
	[tilespmem:$0x1C000] =	vst v63  }
.LBB2_4:
0x40: {  	p0 =	seq.s32 s3, $0x0  }
0x41: {  	s5 =	simm.s32 @!p0 $0x7;
	p1 =	seq.s32 @!p0 s3, $0x4  }
0x42: {  	_ =	swait.ge @!p0 [sflag:s5], $0x800;
	p1 =	por p0, !p1  }
.Ltmp1:
0x43: {  	[sflag:s5] =	ssyncset.done @!p0 $0x0;
	(pc) =	sbr.rel @!p1 .LBB2_6-.Ltmp1, $4  }
0x44: {  	[sflag:s5] =	ssyncadd.s32 @!p0 $0xFFFFF800  }
0x45: {  	_ =	swait.ge @!p0 [sflag:s5], $0x800  }
0x46: {  	[sflag:s5] =	ssyncset.done @!p0 $0x0  }
0x47: {  	s16 =	simm.s32 @!p0 $0x5;
	[sflag:s5] =	ssyncadd.s32 @!p0 $0xFFFFF800  }
0x48: {  	s16 =	sadd.s32 @!p0 $0x1, s3  }
0x49: {  	s16 =	simm.s32 @p0 $0x1  }
0x4a: {  	s5 =	sshll.u32 s16, $0xB  }
0x4b: {  	s6 =	sshll.u32 s16, $0x8;
	s5 =	sand.u32 $0x800, s5  }
0x4c: {  	s10 =	sadd.s32 s7, s6;
	s9 =	sor.u32 $0xA000, s5  }
0x4d: {  	[tilespmem:s9], [sflag:$0x7] =	stream.linear.gather [hbm4b:s10+s2], $0x800, $0x38;
	[tilespmem:$0x1C000] =	vst v63  }
0x4e: {  	s6 =	sadd.s32 s8, s6;
	s5 =	sor.u32 $0xB000, s5  }
0x4f: {  	[tilespmem:s5], [sflag:$0x7] =	stream.linear.gather [hbm4b:s6+s2], $0x800, $0x38;
	[tilespmem:$0x1C000] =	vst v63  }
.LBB2_6:
0x50: {  	s3 =	sshll.u32 s3, $0xB  }
0x51: {  	s3 =	sand.u32 $0x800, s3  }
0x52: {  	s18 =	sor.u32 $0xA000, s3  }
0x53: {  	[tilespmem:s21], [sflag:$0x1] =	stream.indirect.gather [hbm4b:s4+s20], $0x40, s18, s20, $0xb8;
	[tilespmem:$0x1C000] =	vst v63  }
0x54: {  	s6 =	simm.s32 $0x0;
	s5 =	sor.u32 $0xA080, s3;
	s3 =	sor.u32 $0xB000, s3  }
0x55: {  	[tilespmem:s22], [sflag:$0x2] =	stream.indirect.gather [hbm4b:s4+s20], $0x40, s5, s20, $0xb8;
	[tilespmem:$0x1C000] =	vst v63  }
.LBB2_7:
0x56: {  	s15 =	sshll.u32 s6, $0xB  }
0x57: {  	_ =	swait.ge [sflag:s19], $0x2000;
	s5 =	sor.u32 $0x400, s15  }
0x58: {  	[sflag:s19] =	ssyncset.done $0x0;
	s9 =	sshrl.u32 s5, $0x2  }
0x59: {  	p0 =	seq.s32 s6, $0x0;
	[sflag:s19] =	ssyncadd.s32 $0xFFFFE000;
	s5 =	sadd.s32 s9, s18  }
0x5a: {  	[tilespmem:s24], [sflag:$0x3] =	stream.indirect.gather [hbm4b:s4+s20], $0x40, s5, s20, $0xb8;
	[tilespmem:$0x1C000] =	vst v63  }
0x5b: {  	s5 =	simm.s32 @!p0 $0x5  }
0x5c: {  	_ =	swait.ge @!p0 [sflag:s5], $0x4000  }
0x5d: {  	[sflag:s5] =	ssyncset.done @!p0 $0x0  }
0x5e: {  	s25 =	simm.s32 $0x0;
	[sflag:s5] =	ssyncadd.s32 @!p0 $0xFFFFC000  }
0x5f: {  	v1 =	vld [tilespmem:s25+$0xC000];
	_ =	sdelay $0x4  }
0x60: {  	s10 =	simm.s32 $0x14040;
	v2 =	vshll.u32 v1, $0x10  }
0x61: {  	v1 =	vand.u32 $0xFFFF0000, v1;
	[tilespmem:s10+$0xFFFFFFC0] =	vst v2  }
0x62: {  	[tilespmem:s10+$0x0] =	vst v1  }
0x63: {  	v1 =	vld [tilespmem:s25+$0xC010];
	_ =	sdelay $0x4  }
0x64: {  	v2 =	vshll.u32 v1, $0x10  }
0x65: {  	v1 =	vand.u32 $0xFFFF0000, v1;
	[tilespmem:s10+$0xFFFFFFD0] =	vst v2  }
0x66: {  	[tilespmem:s10+$0x10] =	vst v1  }
0x67: {  	v1 =	vld [tilespmem:s25+$0xC020];
	_ =	sdelay $0x4  }
0x68: {  	v2 =	vand.u32 $0xFFFF0000, v1  }
0x69: {  	v1 =	vshll.u32 v1, $0x10;
	[tilespmem:s10+$0x20] =	vst v2  }
0x6a: {  	[tilespmem:s10+$0xFFFFFFE0] =	vst v1  }
0x6b: {  	v1 =	vld [tilespmem:s25+$0xC030];
	_ =	sdelay $0x4  }
0x6c: {  	v2 =	vshll.u32 v1, $0x10  }
0x6d: {  	v1 =	vand.u32 $0xFFFF0000, v1;
	[tilespmem:s10+$0xFFFFFFF0] =	vst v2  }
0x6e: {  	s17 =	simm.s32 $0x40;
	[tilespmem:s10+$0x30] =	vst v1  }
0x6f: {  	v1 =	vld [tilespmem:s17+$0xC000]  }
0x70: {  	s23 =	simm.s32 $0x200  }
.LBB2_8:
0x71: {  	p1 =	sne.s32 s23, $0x7F00;
	_ =	sdelay $0x2  }
0x72: {  	s10 =	sadd.s32 $0x80, s10;
	v2 =	vshll.u32 v1, $0x10  }
0x73: {  	v1 =	vand.u32 $0xFFFF0000, v1;
	[tilespmem:s10+$0xFFFFFFC0] =	vst v2  }
0x74: {  	[tilespmem:s10+$0x0] =	vst v1  }
0x75: {  	v1 =	vld [tilespmem:s17+$0xC010];
	_ =	sdelay $0x4  }
0x76: {  	v2 =	vshll.u32 v1, $0x10  }
0x77: {  	v1 =	vand.u32 $0xFFFF0000, v1;
	[tilespmem:s10+$0xFFFFFFD0] =	vst v2  }
0x78: {  	[tilespmem:s10+$0x10] =	vst v1  }
0x79: {  	v1 =	vld [tilespmem:s17+$0xC020];
	_ =	sdelay $0x4  }
0x7a: {  	v2 =	vshll.u32 v1, $0x10;
	v1 =	vand.u32 $0xFFFF0000, v1  }
0x7b: {  	[tilespmem:s10+$0x20] =	vst v1  }
0x7c: {  	[tilespmem:s10+$0xFFFFFFE0] =	vst v2  }
0x7d: {  	v1 =	vld [tilespmem:s17+$0xC030];
	_ =	sdelay $0x4  }
.Ltmp2:
0x7e: {  	v2 =	vshll.u32 v1, $0x10;
	v1 =	vand.u32 $0xFFFF0000, v1;
	(pc) =	sbr.rel @p1 .LBB2_8-.Ltmp2, $4  }
0x7f: {  	[tilespmem:s10+$0xFFFFFFF0] =	vst v2  }
0x80: {  	s17 =	sshra.s32 s23, $0x2;
	[tilespmem:s10+$0x30] =	vst v1  }
0x81: {  	v1 =	vld [tilespmem:s17+$0xC000]  }
0x82: {  	s23 =	sadd.s32 $0x100, s23  }
0x83: {  	_ =	sdelay $0x2  }
0x84: {  	s5 =	sadd.s32 $0x80, s10;
	v2 =	vshll.u32 v1, $0x10  }
0x85: {  	v1 =	vand.u32 $0xFFFF0000, v1;
	[tilespmem:s5+$0xFFFFFFC0] =	vst v2  }
0x86: {  	[tilespmem:s5+$0x0] =	vst v1  }
0x87: {  	v1 =	vld [tilespmem:s17+$0xC010];
	_ =	sdelay $0x4  }
0x88: {  	v2 =	vshll.u32 v1, $0x10  }
0x89: {  	v1 =	vand.u32 $0xFFFF0000, v1;
	[tilespmem:s5+$0xFFFFFFD0] =	vst v2  }
0x8a: {  	[tilespmem:s5+$0x10] =	vst v1  }
0x8b: {  	v1 =	vld [tilespmem:s17+$0xC020];
	_ =	sdelay $0x4  }
0x8c: {  	v2 =	vand.u32 $0xFFFF0000, v1  }
0x8d: {  	v1 =	vshll.u32 v1, $0x10;
	[tilespmem:s5+$0x20] =	vst v2  }
0x8e: {  	[tilespmem:s5+$0xFFFFFFE0] =	vst v1  }
0x8f: {  	v1 =	vld [tilespmem:s17+$0xC030];
	_ =	sdelay $0x4  }
0x90: {  	v2 =	vshll.u32 v1, $0x10  }
0x91: {  	s17 =	sshrl.u32 s15, $0x2;
	v1 =	vand.u32 $0xFFFF0000, v1;
	[tilespmem:s5+$0xFFFFFFF0] =	vst v2  }
0x92: {  	s17 =	sadd.s32 s17, s3;
	[tilespmem:s5+$0x30] =	vst v1  }
0x93: {  	[spmem:s1] =	stream.indirect.scatter.add.f32 [tilespmem:s11], [sflag:$0x5], $0x80, s17, s20, $0xb8;
	[tilespmem:$0x1C000] =	vst v63  }
0x94: {  	s23 =	sor.u32 $0x600, s15;
	_ =	swait.ge [sflag:s26], $0x2000  }
0x95: {  	s10 =	sshrl.u32 s23, $0x2;
	[sflag:s26] =	ssyncset.done $0x0  }
0x96: {  	s5 =	sadd.s32 s10, s18;
	[sflag:s26] =	ssyncadd.s32 $0xFFFFE000  }
0x97: {  	[tilespmem:s28], [sflag:$0x4] =	stream.indirect.gather [hbm4b:s4+s20], $0x40, s5, s20, $0xb8;
	[tilespmem:$0x1C000] =	vst v63  }
0x98: {  	s5 =	simm.s32 @!p0 $0x6  }
0x99: {  	_ =	swait.ge @!p0 [sflag:s5], $0x4000  }
0x9a: {  	[sflag:s5] =	ssyncset.done @!p0 $0x0  }
0x9b: {  	s25 =	simm.s32 $0x0;
	[sflag:s5] =	ssyncadd.s32 @!p0 $0xFFFFC000  }
0x9c: {  	v1 =	vld [tilespmem:s25+$0xE000];
	_ =	sdelay $0x4  }
0x9d: {  	s23 =	simm.s32 $0x18040;
	v2 =	vshll.u32 v1, $0x10  }
0x9e: {  	v1 =	vand.u32 $0xFFFF0000, v1;
	[tilespmem:s23+$0xFFFFFFC0] =	vst v2  }
0x9f: {  	[tilespmem:s23+$0x0] =	vst v1  }
0xa0: {  	v1 =	vld [tilespmem:s25+$0xE010];
	_ =	sdelay $0x4  }
0xa1: {  	v2 =	vshll.u32 v1, $0x10  }
0xa2: {  	v1 =	vand.u32 $0xFFFF0000, v1;
	[tilespmem:s23+$0xFFFFFFD0] =	vst v2  }
0xa3: {  	[tilespmem:s23+$0x10] =	vst v1  }
0xa4: {  	v1 =	vld [tilespmem:s25+$0xE020];
	_ =	sdelay $0x4  }
0xa5: {  	v2 =	vand.u32 $0xFFFF0000, v1  }
0xa6: {  	v1 =	vshll.u32 v1, $0x10;
	[tilespmem:s23+$0x20] =	vst v2  }
0xa7: {  	[tilespmem:s23+$0xFFFFFFE0] =	vst v1  }
0xa8: {  	v1 =	vld [tilespmem:s25+$0xE030];
	_ =	sdelay $0x4  }
0xa9: {  	v2 =	vshll.u32 v1, $0x10  }
0xaa: {  	v1 =	vand.u32 $0xFFFF0000, v1;
	[tilespmem:s23+$0xFFFFFFF0] =	vst v2  }
0xab: {  	s25 =	simm.s32 $0x40;
	[tilespmem:s23+$0x30] =	vst v1  }
0xac: {  	v1 =	vld [tilespmem:s25+$0xE000]  }
0xad: {  	s5 =	simm.s32 $0x200  }
.LBB2_10:
0xae: {  	p0 =	sne.s32 s5, $0x7F00;
	_ =	sdelay $0x2  }
0xaf: {  	s23 =	sadd.s32 $0x80, s23;
	v2 =	vshll.u32 v1, $0x10  }
0xb0: {  	v1 =	vand.u32 $0xFFFF0000, v1;
	[tilespmem:s23+$0xFFFFFFC0] =	vst v2  }
0xb1: {  	[tilespmem:s23+$0x0] =	vst v1  }
0xb2: {  	v1 =	vld [tilespmem:s25+$0xE010];
	_ =	sdelay $0x4  }
0xb3: {  	v2 =	vshll.u32 v1, $0x10  }
0xb4: {  	v1 =	vand.u32 $0xFFFF0000, v1;
	[tilespmem:s23+$0xFFFFFFD0] =	vst v2  }
0xb5: {  	[tilespmem:s23+$0x10] =	vst v1  }
0xb6: {  	v1 =	vld [tilespmem:s25+$0xE020];
	_ =	sdelay $0x4  }
0xb7: {  	v2 =	vshll.u32 v1, $0x10;
	v1 =	vand.u32 $0xFFFF0000, v1  }
0xb8: {  	[tilespmem:s23+$0x20] =	vst v1  }
0xb9: {  	[tilespmem:s23+$0xFFFFFFE0] =	vst v2  }
0xba: {  	v1 =	vld [tilespmem:s25+$0xE030];
	_ =	sdelay $0x4  }
.Ltmp3:
0xbb: {  	v2 =	vshll.u32 v1, $0x10;
	v1 =	vand.u32 $0xFFFF0000, v1;
	(pc) =	sbr.rel @p0 .LBB2_10-.Ltmp3, $4  }
0xbc: {  	[tilespmem:s23+$0xFFFFFFF0] =	vst v2  }
0xbd: {  	s25 =	sshra.s32 s5, $0x2;
	[tilespmem:s23+$0x30] =	vst v1  }
0xbe: {  	v1 =	vld [tilespmem:s25+$0xE000]  }
0xbf: {  	s5 =	sadd.s32 $0x100, s5  }
0xc0: {  	_ =	sdelay $0x2  }
0xc1: {  	s5 =	sadd.s32 $0x80, s23;
	v2 =	vshll.u32 v1, $0x10  }
0xc2: {  	v1 =	vand.u32 $0xFFFF0000, v1;
	[tilespmem:s5+$0xFFFFFFC0] =	vst v2  }
0xc3: {  	[tilespmem:s5+$0x0] =	vst v1  }
0xc4: {  	v1 =	vld [tilespmem:s25+$0xE010];
	_ =	sdelay $0x4  }
0xc5: {  	v2 =	vshll.u32 v1, $0x10  }
0xc6: {  	v1 =	vand.u32 $0xFFFF0000, v1;
	[tilespmem:s5+$0xFFFFFFD0] =	vst v2  }
0xc7: {  	[tilespmem:s5+$0x10] =	vst v1  }
0xc8: {  	v1 =	vld [tilespmem:s25+$0xE020];
	_ =	sdelay $0x4  }
0xc9: {  	v2 =	vand.u32 $0xFFFF0000, v1  }
0xca: {  	v1 =	vshll.u32 v1, $0x10;
	[tilespmem:s5+$0x20] =	vst v2  }
0xcb: {  	[tilespmem:s5+$0xFFFFFFE0] =	vst v1  }
0xcc: {  	v1 =	vld [tilespmem:s25+$0xE030];
	_ =	sdelay $0x4  }
0xcd: {  	v2 =	vshll.u32 v1, $0x10  }
0xce: {  	v1 =	vand.u32 $0xFFFF0000, v1;
	[tilespmem:s5+$0xFFFFFFF0] =	vst v2  }
0xcf: {  	s23 =	sadd.s32 $0x80, s17;
	p0 =	seq.s32 s6, $0x3;
	[tilespmem:s5+$0x30] =	vst v1  }
0xd0: {  	[spmem:s1] =	stream.indirect.scatter.add.f32 [tilespmem:s29], [sflag:$0x6], $0x80, s23, s20, $0xb8;
	[tilespmem:$0x1C000] =	vst v63  }
0xd1: {  	s5 =	sshrl.u32 @!p0 s15, $0x2;
	_ =	swait.ge [sflag:s30], $0x2000  }
0xd2: {  	s17 =	simm.s32 @!p0 $0x80;
	s15 =	sadd.s32 @!p0 s5, s18;
	[sflag:s30] =	ssyncset.done $0x0  }
0xd3: {  	s23 =	simm.s32 @!p0 $0xC000;
	s5 =	sadd.s32 @!p0 $0x200, s15;
	[sflag:s30] =	ssyncadd.s32 $0xFFFFE000  }
0xd4: {  	[tilespmem:s23], [sflag:$0x1] =	stream.indirect.gather @!p0 [hbm4b:s4+s17], $0x40, s5, s17, $0xb8;
	[tilespmem:$0x1C000] =	vst v63  }
0xd5: {  	_ =	swait.ge [sflag:s31], $0x4000  }
0xd6: {  	[sflag:s31] =	ssyncset.done $0x0  }
0xd7: {  	s25 =	simm.s32 $0x0;
	[sflag:s31] =	ssyncadd.s32 $0xFFFFC000  }
0xd8: {  	v1 =	vld [tilespmem:s25+$0x10000];
	_ =	sdelay $0x4  }
0xd9: {  	s17 =	simm.s32 $0x14040;
	v2 =	vshll.u32 v1, $0x10  }
0xda: {  	v1 =	vand.u32 $0xFFFF0000, v1;
	[tilespmem:s17+$0xFFFFFFC0] =	vst v2  }
0xdb: {  	[tilespmem:s17+$0x0] =	vst v1  }
0xdc: {  	v1 =	vld [tilespmem:s25+$0x10010];
	_ =	sdelay $0x4  }
0xdd: {  	v2 =	vshll.u32 v1, $0x10  }
0xde: {  	v1 =	vand.u32 $0xFFFF0000, v1;
	[tilespmem:s17+$0xFFFFFFD0] =	vst v2  }
0xdf: {  	[tilespmem:s17+$0x10] =	vst v1  }
0xe0: {  	v1 =	vld [tilespmem:s25+$0x10020];
	_ =	sdelay $0x4  }
0xe1: {  	v2 =	vand.u32 $0xFFFF0000, v1  }
0xe2: {  	v1 =	vshll.u32 v1, $0x10;
	[tilespmem:s17+$0x20] =	vst v2  }
0xe3: {  	[tilespmem:s17+$0xFFFFFFE0] =	vst v1  }
0xe4: {  	v1 =	vld [tilespmem:s25+$0x10030];
	_ =	sdelay $0x4  }
0xe5: {  	v2 =	vshll.u32 v1, $0x10  }
0xe6: {  	v1 =	vand.u32 $0xFFFF0000, v1;
	[tilespmem:s17+$0xFFFFFFF0] =	vst v2  }
0xe7: {  	s23 =	simm.s32 $0x40;
	[tilespmem:s17+$0x30] =	vst v1  }
0xe8: {  	v1 =	vld [tilespmem:s23+$0x10000]  }
0xe9: {  	s5 =	simm.s32 $0x200  }
.LBB2_12:
0xea: {  	p1 =	sne.s32 s5, $0x7F00;
	_ =	sdelay $0x2  }
0xeb: {  	s17 =	sadd.s32 $0x80, s17;
	v2 =	vshll.u32 v1, $0x10  }
0xec: {  	v1 =	vand.u32 $0xFFFF0000, v1;
	[tilespmem:s17+$0xFFFFFFC0] =	vst v2  }
0xed: {  	[tilespmem:s17+$0x0] =	vst v1  }
0xee: {  	v1 =	vld [tilespmem:s23+$0x10010];
	_ =	sdelay $0x4  }
0xef: {  	v2 =	vshll.u32 v1, $0x10  }
0xf0: {  	v1 =	vand.u32 $0xFFFF0000, v1;
	[tilespmem:s17+$0xFFFFFFD0] =	vst v2  }
0xf1: {  	[tilespmem:s17+$0x10] =	vst v1  }
0xf2: {  	v1 =	vld [tilespmem:s23+$0x10020];
	_ =	sdelay $0x4  }
0xf3: {  	v2 =	vshll.u32 v1, $0x10;
	v1 =	vand.u32 $0xFFFF0000, v1  }
0xf4: {  	[tilespmem:s17+$0x20] =	vst v1  }
0xf5: {  	[tilespmem:s17+$0xFFFFFFE0] =	vst v2  }
0xf6: {  	v1 =	vld [tilespmem:s23+$0x10030];
	_ =	sdelay $0x4  }
.Ltmp4:
0xf7: {  	v2 =	vshll.u32 v1, $0x10;
	v1 =	vand.u32 $0xFFFF0000, v1;
	(pc) =	sbr.rel @p1 .LBB2_12-.Ltmp4, $4  }
0xf8: {  	[tilespmem:s17+$0xFFFFFFF0] =	vst v2  }
0xf9: {  	s23 =	sshra.s32 s5, $0x2;
	[tilespmem:s17+$0x30] =	vst v1  }
0xfa: {  	v1 =	vld [tilespmem:s23+$0x10000]  }
0xfb: {  	s5 =	sadd.s32 $0x100, s5  }
0xfc: {  	_ =	sdelay $0x2  }
0xfd: {  	s5 =	sadd.s32 $0x80, s17;
	v2 =	vshll.u32 v1, $0x10  }
0xfe: {  	v1 =	vand.u32 $0xFFFF0000, v1;
	[tilespmem:s5+$0xFFFFFFC0] =	vst v2  }
0xff: {  	[tilespmem:s5+$0x0] =	vst v1  }
0x100: {  	v1 =	vld [tilespmem:s23+$0x10010];
	_ =	sdelay $0x4  }
0x101: {  	v2 =	vshll.u32 v1, $0x10  }
0x102: {  	v1 =	vand.u32 $0xFFFF0000, v1;
	[tilespmem:s5+$0xFFFFFFD0] =	vst v2  }
0x103: {  	[tilespmem:s5+$0x10] =	vst v1  }
0x104: {  	v1 =	vld [tilespmem:s23+$0x10020];
	_ =	sdelay $0x4  }
0x105: {  	v2 =	vand.u32 $0xFFFF0000, v1  }
0x106: {  	v1 =	vshll.u32 v1, $0x10;
	[tilespmem:s5+$0x20] =	vst v2  }
0x107: {  	[tilespmem:s5+$0xFFFFFFE0] =	vst v1  }
0x108: {  	v1 =	vld [tilespmem:s23+$0x10030];
	_ =	sdelay $0x4  }
0x109: {  	v2 =	vshll.u32 v1, $0x10  }
0x10a: {  	v1 =	vand.u32 $0xFFFF0000, v1;
	[tilespmem:s5+$0xFFFFFFF0] =	vst v2  }
0x10b: {  	s23 =	sadd.s32 s9, s3;
	[tilespmem:s5+$0x30] =	vst v1  }
0x10c: {  	[spmem:s1] =	stream.indirect.scatter.add.f32 [tilespmem:s11], [sflag:$0x5], $0x80, s23, s20, $0xb8;
	[tilespmem:$0x1C000] =	vst v63  }
0x10d: {  	_ =	swait.ge [sflag:s0], $0x2000  }
0x10e: {  	s9 =	simm.s32 @!p0 $0x80;
	[sflag:s0] =	ssyncset.done $0x0  }
0x10f: {  	s5 =	sadd.s32 @!p0 $0x280, s15;
	s15 =	simm.s32 @!p0 $0xE000;
	[sflag:s0] =	ssyncadd.s32 $0xFFFFE000  }
0x110: {  	[tilespmem:s15], [sflag:$0x2] =	stream.indirect.gather @!p0 [hbm4b:s4+s9], $0x40, s5, s9, $0xb8;
	[tilespmem:$0x1C000] =	vst v63  }
0x111: {  	_ =	swait.ge [sflag:s13], $0x4000  }
0x112: {  	[sflag:s13] =	ssyncset.done $0x0  }
0x113: {  	s25 =	simm.s32 $0x0;
	[sflag:s13] =	ssyncadd.s32 $0xFFFFC000  }
0x114: {  	v1 =	vld [tilespmem:s25+$0x12000];
	_ =	sdelay $0x4  }
0x115: {  	s9 =	simm.s32 $0x18040;
	v2 =	vshll.u32 v1, $0x10  }
0x116: {  	v1 =	vand.u32 $0xFFFF0000, v1;
	[tilespmem:s9+$0xFFFFFFC0] =	vst v2  }
0x117: {  	[tilespmem:s9+$0x0] =	vst v1  }
0x118: {  	v1 =	vld [tilespmem:s25+$0x12010];
	_ =	sdelay $0x4  }
0x119: {  	v2 =	vshll.u32 v1, $0x10  }
0x11a: {  	v1 =	vand.u32 $0xFFFF0000, v1;
	[tilespmem:s9+$0xFFFFFFD0] =	vst v2  }
0x11b: {  	[tilespmem:s9+$0x10] =	vst v1  }
0x11c: {  	v1 =	vld [tilespmem:s25+$0x12020];
	_ =	sdelay $0x4  }
0x11d: {  	v2 =	vand.u32 $0xFFFF0000, v1  }
0x11e: {  	v1 =	vshll.u32 v1, $0x10;
	[tilespmem:s9+$0x20] =	vst v2  }
0x11f: {  	[tilespmem:s9+$0xFFFFFFE0] =	vst v1  }
0x120: {  	v1 =	vld [tilespmem:s25+$0x12030];
	_ =	sdelay $0x4  }
0x121: {  	v2 =	vshll.u32 v1, $0x10  }
0x122: {  	v1 =	vand.u32 $0xFFFF0000, v1;
	[tilespmem:s9+$0xFFFFFFF0] =	vst v2  }
0x123: {  	s15 =	simm.s32 $0x40;
	[tilespmem:s9+$0x30] =	vst v1  }
0x124: {  	v1 =	vld [tilespmem:s15+$0x12000]  }
0x125: {  	s5 =	simm.s32 $0x200  }
.LBB2_14:
0x126: {  	p0 =	sne.s32 s5, $0x7F00;
	_ =	sdelay $0x2  }
0x127: {  	s9 =	sadd.s32 $0x80, s9;
	v2 =	vshll.u32 v1, $0x10  }
0x128: {  	v1 =	vand.u32 $0xFFFF0000, v1;
	[tilespmem:s9+$0xFFFFFFC0] =	vst v2  }
0x129: {  	[tilespmem:s9+$0x0] =	vst v1  }
0x12a: {  	v1 =	vld [tilespmem:s15+$0x12010];
	_ =	sdelay $0x4  }
0x12b: {  	v2 =	vshll.u32 v1, $0x10  }
0x12c: {  	v1 =	vand.u32 $0xFFFF0000, v1;
	[tilespmem:s9+$0xFFFFFFD0] =	vst v2  }
0x12d: {  	[tilespmem:s9+$0x10] =	vst v1  }
0x12e: {  	v1 =	vld [tilespmem:s15+$0x12020];
	_ =	sdelay $0x4  }
0x12f: {  	v2 =	vshll.u32 v1, $0x10;
	v1 =	vand.u32 $0xFFFF0000, v1  }
0x130: {  	[tilespmem:s9+$0x20] =	vst v1  }
0x131: {  	[tilespmem:s9+$0xFFFFFFE0] =	vst v2  }
0x132: {  	v1 =	vld [tilespmem:s15+$0x12030];
	_ =	sdelay $0x4  }
.Ltmp5:
0x133: {  	v2 =	vshll.u32 v1, $0x10;
	v1 =	vand.u32 $0xFFFF0000, v1;
	(pc) =	sbr.rel @p0 .LBB2_14-.Ltmp5, $4  }
0x134: {  	[tilespmem:s9+$0xFFFFFFF0] =	vst v2  }
0x135: {  	s15 =	sshra.s32 s5, $0x2;
	[tilespmem:s9+$0x30] =	vst v1  }
0x136: {  	v1 =	vld [tilespmem:s15+$0x12000]  }
0x137: {  	s5 =	sadd.s32 $0x100, s5  }
0x138: {  	_ =	sdelay $0x2  }
0x139: {  	s5 =	sadd.s32 $0x80, s9;
	v2 =	vshll.u32 v1, $0x10  }
0x13a: {  	v1 =	vand.u32 $0xFFFF0000, v1;
	[tilespmem:s5+$0xFFFFFFC0] =	vst v2  }
0x13b: {  	[tilespmem:s5+$0x0] =	vst v1  }
0x13c: {  	v1 =	vld [tilespmem:s15+$0x12010];
	_ =	sdelay $0x4  }
0x13d: {  	v2 =	vshll.u32 v1, $0x10  }
0x13e: {  	v1 =	vand.u32 $0xFFFF0000, v1;
	[tilespmem:s5+$0xFFFFFFD0] =	vst v2  }
0x13f: {  	[tilespmem:s5+$0x10] =	vst v1  }
0x140: {  	v1 =	vld [tilespmem:s15+$0x12020];
	_ =	sdelay $0x4  }
0x141: {  	v2 =	vand.u32 $0xFFFF0000, v1  }
0x142: {  	v1 =	vshll.u32 v1, $0x10;
	[tilespmem:s5+$0x20] =	vst v2  }
0x143: {  	[tilespmem:s5+$0xFFFFFFE0] =	vst v1  }
0x144: {  	v1 =	vld [tilespmem:s15+$0x12030];
	_ =	sdelay $0x1  }
0x145: {  	s6 =	sadd.s32 $0x1, s6  }
0x146: {  	p0 =	sne.s32 s6, $0x4  }
.Ltmp6:
0x147: {  	_ = 	snop;
	(pc) =	sbr.rel @p0 .LBB2_7-.Ltmp6, $4  }
0x148: {  	v2 =	vshll.u32 v1, $0x10  }
0x149: {  	v1 =	vand.u32 $0xFFFF0000, v1;
	[tilespmem:s5+$0xFFFFFFF0] =	vst v2  }
0x14a: {  	s25 =	sadd.s32 s10, s3;
	[tilespmem:s5+$0x30] =	vst v1  }
0x14b: {  	[spmem:s1] =	stream.indirect.scatter.add.f32 [tilespmem:s29], [sflag:$0x6], $0x80, s25, s20, $0xb8;
	[tilespmem:$0x1C000] =	vst v63  }
0x14c: {  	_ =	swait.ge [sflag:s31], $0x4000;
	p0 =	slt.u32 s16, $0x5  }
.Ltmp7:
0x14d: {  	[sflag:s31] =	ssyncset.done $0x0;
	(pc) =	sbr.rel @p0 .LBB2_4-.Ltmp7, $4  }
0x14e: {  	[sflag:s31] =	ssyncadd.s32 $0xFFFFC000  }
0x14f: {  	_ =	swait.ge [sflag:s13], $0x4000  }
0x150: {  	[sflag:s13] =	ssyncset.done $0x0  }
0x151: {  	s3 =	smov.u32 s16;
	[sflag:s13] =	ssyncadd.s32 $0xFFFFC000  }
0x152: {  	s3 =	stileid.u32;
	[bflag:$0x0] =	sbarrier.arrive $0xFFFF  }
0x153: {  	s3 =	sshll.u32 s3, $0x6;
	s5 =	rddreg [dreg:$0xb]  }
0x154: {  	s6 =	rddreg [dreg:$0xc];
	s3 =	sor.u32 $0x1C08, s3  }
0x155: {  	[hbm:s5], [sflag:s3] =	dma.local [spmem:s6], $0x1400  }
0x156: {  	_ =	swait.ge [sflag:s12], $0x1400  }
0x157: {  	s14 =	sadd.s32 $0x1, s14;
	s25 =	rddreg [dreg:$0x7]  }
0x158: {  	p0 =	sne.s32 s14, s25  }
.Ltmp8:
0x159: {  	_ = 	snop;
	(pc) =	sbr.rel @p0 .LBB2_1-.Ltmp8, $3  }
0x15a: {  	_ =	sdelay $0x1  }
0x15b: {  	[sflag:s12] =	ssyncset.done $0x0  }
0x15c: {  	[sflag:s12] =	ssyncadd.s32 $0xFFFFEC00  }
0x15d: {  	_ =	sfence.sel $0x180000  }
0x15e: {  	[bflag:$0x0] =	sbarrier.arrive $0xFFFF  }
0x15f: {  	_ =	strace $0x90000047  }
0x160: {  	s0 =	stileid.u32;
	[bflag:$0x2] =	sbarrier.arrive $0xFFFF  }
0x161: {  	p0 =	sne.s32 s0, $0x0;
	s0 =	rddreg [dreg:$0x4]  }
0x162: {  	s0 =	sadd.s32 @!p0 $0x100000, s0  }
0x163: {  	[sflag:s0] =	ssyncadd.tile.s32 @!p0 $0x1;
	_ =	shalt  }
.Lfunc_end2:
_tile_overlayer_lowered:
.L_overlay_start_2:
0x164: {  	(tag) =	ssettag $0x2  }
0x165: {  	s0 =	rddreg [dreg:$0x0];
	s2 =	stileid.u32  }
0x166: {  	s1 =	rddreg [dreg:$0x1];
	p0 =	sne.s32 s2, $0x0  }
0x167: {  	s3 =	rddreg [dreg:$0x2];
	[bflag:$0x3] =	sbarrier.arrive $0xFFFF;
	s2 =	simm.s32 @!p0 $0x1C08  }
0x168: {  	[timem:s3], [sflag:s2] =	dma.local @!p0 [hbm:s0], s1  }
0x169: {  	s0 =	simm.s32 @!p0 $0x8  }
0x16a: {  	_ =	swait.ge @!p0 [sflag:s0], s1  }
0x16b: {  	s1 =	ssub.s32 @!p0 $0x0, s1;
	[sflag:s0] =	ssyncset.done @!p0 $0x0  }
0x16c: {  	[sflag:s0] =	ssyncadd.s32 @!p0 s1  }
0x16d: {  	[bflag:$0x3] =	sbarrier.arrive $0xFFFF  }
0x16e: {  	_ =	shalt  }

</sc_bundles>
